<compile_context>
chip_gen: v7x
topology: tpu7x:2x2x1
jax: 0.10.2.dev20260603
libtpu: 0.0.44.dev20260713+nightly
codegen_flags: <defaults>
</compile_context>

<pallas_src>
import functools

import jax
import jax.numpy as jnp
from jax import lax
from jax.experimental import pallas as pl
from jax.experimental.pallas import tpu as pltpu
from jax.experimental.pallas import tpu_sc as plsc

_FEAT = 2048
_NCLS = 1000
_BATCH = 16384
_NC = 2
_NS = 16
_NW = _NC * _NS
_BPW = _BATCH // _NW
_CHUNK = 8
_NBUF = 4
_NCHUNK = _BPW // _CHUNK


def _sc_gather(table, idx):
    mesh = plsc.VectorSubcoreMesh(core_axis_name="c", subcore_axis_name="s")

    @functools.partial(
        pl.kernel,
        out_type=jax.ShapeDtypeStruct((_BATCH, _FEAT), jnp.float32),
        mesh=mesh,
        scratch_types=[
            pltpu.VMEM((_BPW,), jnp.int32),
            pltpu.VMEM_SHARED((_NS, 2, _CHUNK, _FEAT), jnp.float32),
        ]
        + [pltpu.VMEM((_CHUNK, _FEAT), jnp.float32) for _ in range(_NBUF)]
        + [pltpu.SemaphoreType.DMA for _ in range(2 * _NBUF + 2)],
    )
    def k(table_hbm, idx_hbm, out_hbm, idx_v, shared, *bufs_and_sems):
        bufs = bufs_and_sems[:_NBUF]
        gsems = bufs_and_sems[_NBUF:2 * _NBUF]
        csems = bufs_and_sems[2 * _NBUF:3 * _NBUF]
        wsems = bufs_and_sems[3 * _NBUF:]
        assert len(wsems) == 2
        sid = lax.axis_index("s")
        wid = sid * _NC + lax.axis_index("c")
        base = wid * _BPW
        pltpu.sync_copy(idx_hbm.at[pl.ds(base, _BPW)], idx_v)

        def start_gather(g, b):
            pltpu.async_copy(
                table_hbm.at[idx_v.at[pl.ds(g * _CHUNK, _CHUNK)]],
                bufs[b], gsems[b],
            )

        for g in range(_NBUF):
            start_gather(g, g)

        @pl.loop(0, _NCHUNK, step=_NBUF)
        def _(g0):
            for b in range(_NBUF):
                g = g0 + b
                s2 = b % 2
                slot = shared.at[sid, s2]
                pltpu.make_async_copy(
                    table_hbm.at[idx_v.at[pl.ds(0, _CHUNK)]], bufs[b], gsems[b]
                ).wait()

                @pl.when(g >= 2)
                def _():
                    pltpu.make_async_copy(
                        slot, out_hbm.at[pl.ds(base, _CHUNK)], wsems[s2]
                    ).wait()

                pltpu.async_copy(bufs[b], slot, csems[b])
                pltpu.make_async_copy(bufs[b], slot, csems[b]).wait()
                pltpu.async_copy(
                    slot, out_hbm.at[pl.ds(base + g * _CHUNK, _CHUNK)],
                    wsems[s2],
                )

                @pl.when(g + _NBUF < _NCHUNK)
                def _():
                    start_gather(g + _NBUF, b)

        for s2 in range(2):
            pltpu.make_async_copy(
                shared.at[sid, s2], out_hbm.at[pl.ds(base, _CHUNK)], wsems[s2]
            ).wait()

    return k(table, idx)


def kernel(label, proto):
    table = proto.T
    return _sc_gather(table, label.astype(jnp.int32))

# --- scband reference (transcript-rebuilt; emitter-appended) ---
"""Pipeline reference for scband-proto-classifier-1365799600811 (READ-ONLY COPY).

The authoritative reference and input builder live on the scoring server;
editing this copy changes nothing except your own understanding.
"""

import jax, jax.numpy as jnp
import numpy as np

FEAT_IN = 2048
NUM_CLASSES = 1000
BATCH = 16384

def _make_proto(feat_in, num_classes):
    rng = np.random.default_rng(0)
    a = rng.random((feat_in, num_classes))
    P, _ = np.linalg.qr(a)
    I = np.eye(num_classes)
    one = np.ones((num_classes, num_classes))
    M = np.sqrt(num_classes / (num_classes - 1)) * (P @ (I - one / num_classes))
    return jnp.asarray(M, dtype=jnp.float32)

def setup_inputs(seed: int = 0) -> dict:
    key = jax.random.key(seed)
    label = jax.random.randint(jax.random.fold_in(key, 1), (BATCH,), 0, NUM_CLASSES, dtype=jnp.int64 if jax.config.jax_enable_x64 else jnp.int32)
    proto = _make_proto(FEAT_IN, NUM_CLASSES)
    return {"label": label, "proto": proto}

def reference(label, proto):
    # target = proto[:, label].T  -> gather columns then transpose
    target = jnp.take(proto, label, axis=1).T
    return target

if __name__ == "__main__":
    import jax
    _d = setup_inputs()
    print(jax.jit(kernel)(*tuple(_d.values())))

</pallas_src>

<mosaic_0001>
#map = affine_map<(d0, d1) -> (0, 0)>
#map1 = affine_map<(d0, d1) -> (0)>
module attributes {stable_mosaic.version = 14 : i64} {
  func.func @k(%arg0: i32, %arg1: i32, %arg2: memref<1000x2048xf32, #tpu.memory_space<hbm>>, %arg3: memref<16384xi32, #tpu.memory_space<hbm>>, %arg4: memref<16384x2048xf32, #tpu.memory_space<hbm>>, %arg5: memref<512xi32, #tpu.memory_space<vmem>>, %arg6: memref<16x2x8x2048xf32, #tpu.memory_space<vmem_shared>>, %arg7: memref<8x2048xf32, #tpu.memory_space<vmem>>, %arg8: memref<8x2048xf32, #tpu.memory_space<vmem>>, %arg9: memref<8x2048xf32, #tpu.memory_space<vmem>>, %arg10: memref<8x2048xf32, #tpu.memory_space<vmem>>, %arg11: memref<!tpu.dma_semaphore, #tpu.memory_space<semaphore_mem>>, %arg12: memref<!tpu.dma_semaphore, #tpu.memory_space<semaphore_mem>>, %arg13: memref<!tpu.dma_semaphore, #tpu.memory_space<semaphore_mem>>, %arg14: memref<!tpu.dma_semaphore, #tpu.memory_space<semaphore_mem>>, %arg15: memref<!tpu.dma_semaphore, #tpu.memory_space<semaphore_mem>>, %arg16: memref<!tpu.dma_semaphore, #tpu.memory_space<semaphore_mem>>, %arg17: memref<!tpu.dma_semaphore, #tpu.memory_space<semaphore_mem>>, %arg18: memref<!tpu.dma_semaphore, #tpu.memory_space<semaphore_mem>>, %arg19: memref<!tpu.dma_semaphore, #tpu.memory_space<semaphore_mem>>, %arg20: memref<!tpu.dma_semaphore, #tpu.memory_space<semaphore_mem>>) attributes {dimension_semantics = [#tpu.dimension_semantics<core_parallel>, #tpu.dimension_semantics<subcore_parallel>], iteration_bounds = array<i64: 2, 16>, scalar_prefetch = 0 : i64, scratch_operands = 16 : i64, tpu.core_type = #tpu.core_type<sc_vector_subcore>, window_params = [{transform_indices = #map}, {transform_indices = #map1}, {transform_indices = #map}]} {
    %mul3A = arith.constant 2 : i32
    %mul3A_0 = arith.muli %arg1, %mul3A : i32
    %add3A = arith.addi %mul3A_0, %arg0 : i32
    %mul3A_1 = arith.constant 512 : i32
    %mul3A_2 = arith.muli %add3A, %mul3A_1 : i32
    "tpu.region"() ({
      %run_scoped3A = tpu.sem_alloc : memref<!tpu.dma_semaphore, #tpu.memory_space<semaphore_mem>>
      %dma_start3A_39 = tpu.memref_slice %arg3[%mul3A_2] : memref<16384xi32, #tpu.memory_space<hbm>> -> memref<512xi32, #tpu.memory_space<hbm>>
      %dma_start3A_40 = tpu.memref_slice %arg3[%mul3A_2] : memref<16384xi32, #tpu.memory_space<hbm>> -> memref<512xi32, #tpu.memory_space<hbm>>
      tpu.enqueue_dma source(%dma_start3A_40 : memref<512xi32, #tpu.memory_space<hbm>>) target(%arg5 : memref<512xi32, #tpu.memory_space<vmem>>) target_semaphore(%run_scoped3A : memref<!tpu.dma_semaphore, #tpu.memory_space<semaphore_mem>>)
      %dma_wait3A_41 = tpu.memref_slice %arg3[%mul3A_2] : memref<16384xi32, #tpu.memory_space<hbm>> -> memref<512xi32, #tpu.memory_space<hbm>>
      %dma_wait3A_42 = tpu.memref_slice %arg3[%mul3A_2] : memref<16384xi32, #tpu.memory_space<hbm>> -> memref<512xi32, #tpu.memory_space<hbm>>
      tpu.wait_dma2 semaphore(%run_scoped3A : memref<!tpu.dma_semaphore, #tpu.memory_space<semaphore_mem>>) src(%dma_wait3A_42 : memref<512xi32, #tpu.memory_space<hbm>>) dst(%arg5 : memref<512xi32, #tpu.memory_space<vmem>>)
      tpu.yield
    }) : () -> ()
    %dma_start3A = arith.constant 0 : i32
    %dma_start3A_3 = tpu.memref_slice %arg5[%dma_start3A] : memref<512xi32, #tpu.memory_space<vmem>> -> memref<8xi32, #tpu.memory_space<vmem>>
    %dma_start3A_4 = arith.constant 0 : i32
    %dma_start3A_5 = arith.constant 0 : i32
    %dma_start3A_6 = tpu.memref_slice %arg2[%dma_start3A_4, %dma_start3A_5] : memref<1000x2048xf32, #tpu.memory_space<hbm>> -> memref<1000x2048xf32, #tpu.memory_space<hbm>>
    tpu.enqueue_indirect_dma source(%dma_start3A_6 : memref<1000x2048xf32, #tpu.memory_space<hbm>>) target(%arg7 : memref<8x2048xf32, #tpu.memory_space<vmem>>) offsets(%dma_start3A_3 : memref<8xi32, #tpu.memory_space<vmem>>) semaphore(%arg11 : memref<!tpu.dma_semaphore, #tpu.memory_space<semaphore_mem>>)
    %dma_start3A_7 = arith.constant 8 : i32
    %dma_start3A_8 = tpu.memref_slice %arg5[%dma_start3A_7] : memref<512xi32, #tpu.memory_space<vmem>> -> memref<8xi32, #tpu.memory_space<vmem>>
    %dma_start3A_9 = arith.constant 0 : i32
    %dma_start3A_10 = arith.constant 0 : i32
    %dma_start3A_11 = tpu.memref_slice %arg2[%dma_start3A_9, %dma_start3A_10] : memref<1000x2048xf32, #tpu.memory_space<hbm>> -> memref<1000x2048xf32, #tpu.memory_space<hbm>>
    tpu.enqueue_indirect_dma source(%dma_start3A_11 : memref<1000x2048xf32, #tpu.memory_space<hbm>>) target(%arg8 : memref<8x2048xf32, #tpu.memory_space<vmem>>) offsets(%dma_start3A_8 : memref<8xi32, #tpu.memory_space<vmem>>) semaphore(%arg12 : memref<!tpu.dma_semaphore, #tpu.memory_space<semaphore_mem>>)
    %dma_start3A_12 = arith.constant 16 : i32
    %dma_start3A_13 = tpu.memref_slice %arg5[%dma_start3A_12] : memref<512xi32, #tpu.memory_space<vmem>> -> memref<8xi32, #tpu.memory_space<vmem>>
    %dma_start3A_14 = arith.constant 0 : i32
    %dma_start3A_15 = arith.constant 0 : i32
    %dma_start3A_16 = tpu.memref_slice %arg2[%dma_start3A_14, %dma_start3A_15] : memref<1000x2048xf32, #tpu.memory_space<hbm>> -> memref<1000x2048xf32, #tpu.memory_space<hbm>>
    tpu.enqueue_indirect_dma source(%dma_start3A_16 : memref<1000x2048xf32, #tpu.memory_space<hbm>>) target(%arg9 : memref<8x2048xf32, #tpu.memory_space<vmem>>) offsets(%dma_start3A_13 : memref<8xi32, #tpu.memory_space<vmem>>) semaphore(%arg13 : memref<!tpu.dma_semaphore, #tpu.memory_space<semaphore_mem>>)
    %dma_start3A_17 = arith.constant 24 : i32
    %dma_start3A_18 = tpu.memref_slice %arg5[%dma_start3A_17] : memref<512xi32, #tpu.memory_space<vmem>> -> memref<8xi32, #tpu.memory_space<vmem>>
    %dma_start3A_19 = arith.constant 0 : i32
    %dma_start3A_20 = arith.constant 0 : i32
    %dma_start3A_21 = tpu.memref_slice %arg2[%dma_start3A_19, %dma_start3A_20] : memref<1000x2048xf32, #tpu.memory_space<hbm>> -> memref<1000x2048xf32, #tpu.memory_space<hbm>>
    tpu.enqueue_indirect_dma source(%dma_start3A_21 : memref<1000x2048xf32, #tpu.memory_space<hbm>>) target(%arg10 : memref<8x2048xf32, #tpu.memory_space<vmem>>) offsets(%dma_start3A_18 : memref<8xi32, #tpu.memory_space<vmem>>) semaphore(%arg14 : memref<!tpu.dma_semaphore, #tpu.memory_space<semaphore_mem>>)
    %scan3A = arith.constant 0 : i32
    %scan3A_22 = arith.constant 16 : i32
    %scan3A_23 = arith.addi %scan3A, %scan3A_22 : i32
    %scan3A_24 = arith.constant 1 : i32
    scf.for %scan3A_39 = %scan3A to %scan3A_23 step %scan3A_24  : i32 {
      %mul3A_40 = arith.constant 4 : i32
      %mul3A_41 = arith.muli %scan3A_39, %mul3A_40 : i32
      %add3A_42 = arith.constant 0 : i32
      %add3A_43 = arith.addi %add3A_42, %mul3A_41 : i32
      %add3A_44 = arith.constant 0 : i32
      %add3A_45 = arith.addi %add3A_43, %add3A_44 : i32
      %dma_wait3A_46 = arith.constant 0 : i32
      %dma_wait3A_47 = tpu.memref_slice %arg5[%dma_wait3A_46] : memref<512xi32, #tpu.memory_space<vmem>> -> memref<8xi32, #tpu.memory_space<vmem>>
      %dma_wait3A_48 = arith.constant 0 : i32
      %dma_wait3A_49 = arith.constant 0 : i32
      %dma_wait3A_50 = tpu.memref_slice %arg2[%dma_wait3A_48, %dma_wait3A_49] : memref<1000x2048xf32, #tpu.memory_space<hbm>> -> memref<1000x2048xf32, #tpu.memory_space<hbm>>
      tpu.wait_indirect_dma semaphore(%arg11 : memref<!tpu.dma_semaphore, #tpu.memory_space<semaphore_mem>>) src(%dma_wait3A_50 : memref<1000x2048xf32, #tpu.memory_space<hbm>>) dst(%arg7 : memref<8x2048xf32, #tpu.memory_space<vmem>>)
      %ge3A = arith.constant 2 : i32
      %ge3A_51 = arith.cmpi sge, %add3A_45, %ge3A : i32
      %convert_element_type3A = arith.extui %ge3A_51 : i1 to i32
      %cond3A = arith.constant 0 : i32
      %cond3A_52 = arith.constant 0 : i32
      %cond3A_53 = arith.cmpi ne, %convert_element_type3A, %cond3A_52 : i32
      scf.if %cond3A_53 {
        %dma_wait3A_232 = arith.constant 0 : i32
        %dma_wait3A_233 = tpu.memref_slice %arg4[%mul3A_2, %dma_wait3A_232] : memref<16384x2048xf32, #tpu.memory_space<hbm>> -> memref<8x2048xf32, #tpu.memory_space<hbm>>
        %dma_wait3A_234 = arith.constant 0 : i32
        %dma_wait3A_235 = arith.constant 0 : i32
        %dma_wait3A_236 = tpu.memref_slice %arg6[%arg1, %cond3A, %dma_wait3A_234, %dma_wait3A_235] : memref<16x2x8x2048xf32, #tpu.memory_space<vmem_shared>> -> memref<1x1x8x2048xf32, #tpu.memory_space<vmem_shared>>
        %dma_wait3A_237 = tpu.memref_squeeze %dma_wait3A_236 : memref<1x1x8x2048xf32, #tpu.memory_space<vmem_shared>> -> memref<8x2048xf32, #tpu.memory_space<vmem_shared>>
        tpu.wait_dma2 semaphore(%arg19 : memref<!tpu.dma_semaphore, #tpu.memory_space<semaphore_mem>>) src(%dma_wait3A_237 : memref<8x2048xf32, #tpu.memory_space<vmem_shared>>) dst(%dma_wait3A_233 : memref<8x2048xf32, #tpu.memory_space<hbm>>)
      } else {
      }
      %dma_start3A_54 = arith.constant 0 : i32
      %dma_start3A_55 = arith.constant 0 : i32
      %dma_start3A_56 = arith.constant 0 : i32
      %dma_start3A_57 = tpu.memref_slice %arg6[%arg1, %dma_start3A_54, %dma_start3A_55, %dma_start3A_56] : memref<16x2x8x2048xf32, #tpu.memory_space<vmem_shared>> -> memref<1x1x8x2048xf32, #tpu.memory_space<vmem_shared>>
      %dma_start3A_58 = tpu.memref_squeeze %dma_start3A_57 : memref<1x1x8x2048xf32, #tpu.memory_space<vmem_shared>> -> memref<8x2048xf32, #tpu.memory_space<vmem_shared>>
      %dma_start3A_59 = arith.constant 0 : i32
      %dma_start3A_60 = arith.constant 0 : i32
      %dma_start3A_61 = tpu.memref_slice %arg6[%arg1, %dma_start3A_54, %dma_start3A_59, %dma_start3A_60] : memref<16x2x8x2048xf32, #tpu.memory_space<vmem_shared>> -> memref<1x1x8x2048xf32, #tpu.memory_space<vmem_shared>>
      %dma_start3A_62 = tpu.memref_squeeze %dma_start3A_61 : memref<1x1x8x2048xf32, #tpu.memory_space<vmem_shared>> -> memref<8x2048xf32, #tpu.memory_space<vmem_shared>>
      tpu.enqueue_dma source(%arg7 : memref<8x2048xf32, #tpu.memory_space<vmem>>) target(%dma_start3A_62 : memref<8x2048xf32, #tpu.memory_space<vmem_shared>>) target_semaphore(%arg15 : memref<!tpu.dma_semaphore, #tpu.memory_space<semaphore_mem>>)
      %dma_wait3A_63 = arith.constant 0 : i32
      %dma_wait3A_64 = arith.constant 0 : i32
      %dma_wait3A_65 = arith.constant 0 : i32
      %dma_wait3A_66 = tpu.memref_slice %arg6[%arg1, %dma_wait3A_63, %dma_wait3A_64, %dma_wait3A_65] : memref<16x2x8x2048xf32, #tpu.memory_space<vmem_shared>> -> memref<1x1x8x2048xf32, #tpu.memory_space<vmem_shared>>
      %dma_wait3A_67 = tpu.memref_squeeze %dma_wait3A_66 : memref<1x1x8x2048xf32, #tpu.memory_space<vmem_shared>> -> memref<8x2048xf32, #tpu.memory_space<vmem_shared>>
      %dma_wait3A_68 = arith.constant 0 : i32
      %dma_wait3A_69 = arith.constant 0 : i32
      %dma_wait3A_70 = tpu.memref_slice %arg6[%arg1, %dma_wait3A_63, %dma_wait3A_68, %dma_wait3A_69] : memref<16x2x8x2048xf32, #tpu.memory_space<vmem_shared>> -> memref<1x1x8x2048xf32, #tpu.memory_space<vmem_shared>>
      %dma_wait3A_71 = tpu.memref_squeeze %dma_wait3A_70 : memref<1x1x8x2048xf32, #tpu.memory_space<vmem_shared>> -> memref<8x2048xf32, #tpu.memory_space<vmem_shared>>
      tpu.wait_dma2 semaphore(%arg15 : memref<!tpu.dma_semaphore, #tpu.memory_space<semaphore_mem>>) src(%arg7 : memref<8x2048xf32, #tpu.memory_space<vmem>>) dst(%dma_wait3A_71 : memref<8x2048xf32, #tpu.memory_space<vmem_shared>>)
      %mul3A_72 = arith.constant 8 : i32
      %mul3A_73 = arith.muli %add3A_45, %mul3A_72 : i32
      %add3A_74 = arith.addi %mul3A_2, %mul3A_73 : i32
      %dma_start3A_75 = arith.constant 0 : i32
      %dma_start3A_76 = arith.constant 0 : i32
      %dma_start3A_77 = tpu.memref_slice %arg4[%add3A_74, %dma_start3A_76] : memref<16384x2048xf32, #tpu.memory_space<hbm>> -> memref<8x2048xf32, #tpu.memory_space<hbm>>
      %dma_start3A_78 = arith.constant 0 : i32
      %dma_start3A_79 = arith.constant 0 : i32
      %dma_start3A_80 = tpu.memref_slice %arg6[%arg1, %dma_start3A_75, %dma_start3A_78, %dma_start3A_79] : memref<16x2x8x2048xf32, #tpu.memory_space<vmem_shared>> -> memref<1x1x8x2048xf32, #tpu.memory_space<vmem_shared>>
      %dma_start3A_81 = tpu.memref_squeeze %dma_start3A_80 : memref<1x1x8x2048xf32, #tpu.memory_space<vmem_shared>> -> memref<8x2048xf32, #tpu.memory_space<vmem_shared>>
      tpu.enqueue_dma source(%dma_start3A_81 : memref<8x2048xf32, #tpu.memory_space<vmem_shared>>) target(%dma_start3A_77 : memref<8x2048xf32, #tpu.memory_space<hbm>>) target_semaphore(%arg19 : memref<!tpu.dma_semaphore, #tpu.memory_space<semaphore_mem>>)
      %add3A_82 = arith.constant 4 : i32
      %add3A_83 = arith.addi %add3A_45, %add3A_82 : i32
      %lt3A = arith.constant 64 : i32
      %lt3A_84 = arith.cmpi slt, %add3A_83, %lt3A : i32
      %convert_element_type3A_85 = arith.extui %lt3A_84 : i1 to i32
      %cond3A_86 = arith.constant 0 : i32
      %cond3A_87 = arith.cmpi ne, %convert_element_type3A_85, %cond3A_86 : i32
      scf.if %cond3A_87 {
        %add3A_232 = arith.constant 4 : i32
        %add3A_233 = arith.addi %add3A_45, %add3A_232 : i32
        %mul3A_234 = arith.constant 8 : i32
        %mul3A_235 = arith.muli %add3A_233, %mul3A_234 : i32
        %dma_start3A_236 = tpu.memref_slice %arg5[%mul3A_235] : memref<512xi32, #tpu.memory_space<vmem>> -> memref<8xi32, #tpu.memory_space<vmem>>
        %dma_start3A_237 = arith.constant 0 : i32
        %dma_start3A_238 = arith.constant 0 : i32
        %dma_start3A_239 = tpu.memref_slice %arg2[%dma_start3A_237, %dma_start3A_238] : memref<1000x2048xf32, #tpu.memory_space<hbm>> -> memref<1000x2048xf32, #tpu.memory_space<hbm>>
        tpu.enqueue_indirect_dma source(%dma_start3A_239 : memref<1000x2048xf32, #tpu.memory_space<hbm>>) target(%arg7 : memref<8x2048xf32, #tpu.memory_space<vmem>>) offsets(%dma_start3A_236 : memref<8xi32, #tpu.memory_space<vmem>>) semaphore(%arg11 : memref<!tpu.dma_semaphore, #tpu.memory_space<semaphore_mem>>)
      } else {
      }
      %add3A_88 = arith.constant 1 : i32
      %add3A_89 = arith.addi %add3A_43, %add3A_88 : i32
      %dma_wait3A_90 = arith.constant 0 : i32
      %dma_wait3A_91 = tpu.memref_slice %arg5[%dma_wait3A_90] : memref<512xi32, #tpu.memory_space<vmem>> -> memref<8xi32, #tpu.memory_space<vmem>>
      %dma_wait3A_92 = arith.constant 0 : i32
      %dma_wait3A_93 = arith.constant 0 : i32
      %dma_wait3A_94 = tpu.memref_slice %arg2[%dma_wait3A_92, %dma_wait3A_93] : memref<1000x2048xf32, #tpu.memory_space<hbm>> -> memref<1000x2048xf32, #tpu.memory_space<hbm>>
      tpu.wait_indirect_dma semaphore(%arg12 : memref<!tpu.dma_semaphore, #tpu.memory_space<semaphore_mem>>) src(%dma_wait3A_94 : memref<1000x2048xf32, #tpu.memory_space<hbm>>) dst(%arg8 : memref<8x2048xf32, #tpu.memory_space<vmem>>)
      %ge3A_95 = arith.constant 2 : i32
      %ge3A_96 = arith.cmpi sge, %add3A_89, %ge3A_95 : i32
      %convert_element_type3A_97 = arith.extui %ge3A_96 : i1 to i32
      %cond3A_98 = arith.constant 1 : i32
      %cond3A_99 = arith.constant 0 : i32
      %cond3A_100 = arith.cmpi ne, %convert_element_type3A_97, %cond3A_99 : i32
      scf.if %cond3A_100 {
        %dma_wait3A_232 = arith.constant 0 : i32
        %dma_wait3A_233 = tpu.memref_slice %arg4[%mul3A_2, %dma_wait3A_232] : memref<16384x2048xf32, #tpu.memory_space<hbm>> -> memref<8x2048xf32, #tpu.memory_space<hbm>>
        %dma_wait3A_234 = arith.constant 0 : i32
        %dma_wait3A_235 = arith.constant 0 : i32
        %dma_wait3A_236 = tpu.memref_slice %arg6[%arg1, %cond3A_98, %dma_wait3A_234, %dma_wait3A_235] : memref<16x2x8x2048xf32, #tpu.memory_space<vmem_shared>> -> memref<1x1x8x2048xf32, #tpu.memory_space<vmem_shared>>
        %dma_wait3A_237 = tpu.memref_squeeze %dma_wait3A_236 : memref<1x1x8x2048xf32, #tpu.memory_space<vmem_shared>> -> memref<8x2048xf32, #tpu.memory_space<vmem_shared>>
        tpu.wait_dma2 semaphore(%arg20 : memref<!tpu.dma_semaphore, #tpu.memory_space<semaphore_mem>>) src(%dma_wait3A_237 : memref<8x2048xf32, #tpu.memory_space<vmem_shared>>) dst(%dma_wait3A_233 : memref<8x2048xf32, #tpu.memory_space<hbm>>)
      } else {
      }
      %dma_start3A_101 = arith.constant 1 : i32
      %dma_start3A_102 = arith.constant 0 : i32
      %dma_start3A_103 = arith.constant 0 : i32
      %dma_start3A_104 = tpu.memref_slice %arg6[%arg1, %dma_start3A_101, %dma_start3A_102, %dma_start3A_103] : memref<16x2x8x2048xf32, #tpu.memory_space<vmem_shared>> -> memref<1x1x8x2048xf32, #tpu.memory_space<vmem_shared>>
      %dma_start3A_105 = tpu.memref_squeeze %dma_start3A_104 : memref<1x1x8x2048xf32, #tpu.memory_space<vmem_shared>> -> memref<8x2048xf32, #tpu.memory_space<vmem_shared>>
      %dma_start3A_106 = arith.constant 0 : i32
      %dma_start3A_107 = arith.constant 0 : i32
      %dma_start3A_108 = tpu.memref_slice %arg6[%arg1, %dma_start3A_101, %dma_start3A_106, %dma_start3A_107] : memref<16x2x8x2048xf32, #tpu.memory_space<vmem_shared>> -> memref<1x1x8x2048xf32, #tpu.memory_space<vmem_shared>>
      %dma_start3A_109 = tpu.memref_squeeze %dma_start3A_108 : memref<1x1x8x2048xf32, #tpu.memory_space<vmem_shared>> -> memref<8x2048xf32, #tpu.memory_space<vmem_shared>>
      tpu.enqueue_dma source(%arg8 : memref<8x2048xf32, #tpu.memory_space<vmem>>) target(%dma_start3A_109 : memref<8x2048xf32, #tpu.memory_space<vmem_shared>>) target_semaphore(%arg16 : memref<!tpu.dma_semaphore, #tpu.memory_space<semaphore_mem>>)
      %dma_wait3A_110 = arith.constant 1 : i32
      %dma_wait3A_111 = arith.constant 0 : i32
      %dma_wait3A_112 = arith.constant 0 : i32
      %dma_wait3A_113 = tpu.memref_slice %arg6[%arg1, %dma_wait3A_110, %dma_wait3A_111, %dma_wait3A_112] : memref<16x2x8x2048xf32, #tpu.memory_space<vmem_shared>> -> memref<1x1x8x2048xf32, #tpu.memory_space<vmem_shared>>
      %dma_wait3A_114 = tpu.memref_squeeze %dma_wait3A_113 : memref<1x1x8x2048xf32, #tpu.memory_space<vmem_shared>> -> memref<8x2048xf32, #tpu.memory_space<vmem_shared>>
      %dma_wait3A_115 = arith.constant 0 : i32
      %dma_wait3A_116 = arith.constant 0 : i32
      %dma_wait3A_117 = tpu.memref_slice %arg6[%arg1, %dma_wait3A_110, %dma_wait3A_115, %dma_wait3A_116] : memref<16x2x8x2048xf32, #tpu.memory_space<vmem_shared>> -> memref<1x1x8x2048xf32, #tpu.memory_space<vmem_shared>>
      %dma_wait3A_118 = tpu.memref_squeeze %dma_wait3A_117 : memref<1x1x8x2048xf32, #tpu.memory_space<vmem_shared>> -> memref<8x2048xf32, #tpu.memory_space<vmem_shared>>
      tpu.wait_dma2 semaphore(%arg16 : memref<!tpu.dma_semaphore, #tpu.memory_space<semaphore_mem>>) src(%arg8 : memref<8x2048xf32, #tpu.memory_space<vmem>>) dst(%dma_wait3A_118 : memref<8x2048xf32, #tpu.memory_space<vmem_shared>>)
      %mul3A_119 = arith.constant 8 : i32
      %mul3A_120 = arith.muli %add3A_89, %mul3A_119 : i32
      %add3A_121 = arith.addi %mul3A_2, %mul3A_120 : i32
      %dma_start3A_122 = arith.constant 1 : i32
      %dma_start3A_123 = arith.constant 0 : i32
      %dma_start3A_124 = tpu.memref_slice %arg4[%add3A_121, %dma_start3A_123] : memref<16384x2048xf32, #tpu.memory_space<hbm>> -> memref<8x2048xf32, #tpu.memory_space<hbm>>
      %dma_start3A_125 = arith.constant 0 : i32
      %dma_start3A_126 = arith.constant 0 : i32
      %dma_start3A_127 = tpu.memref_slice %arg6[%arg1, %dma_start3A_122, %dma_start3A_125, %dma_start3A_126] : memref<16x2x8x2048xf32, #tpu.memory_space<vmem_shared>> -> memref<1x1x8x2048xf32, #tpu.memory_space<vmem_shared>>
      %dma_start3A_128 = tpu.memref_squeeze %dma_start3A_127 : memref<1x1x8x2048xf32, #tpu.memory_space<vmem_shared>> -> memref<8x2048xf32, #tpu.memory_space<vmem_shared>>
      tpu.enqueue_dma source(%dma_start3A_128 : memref<8x2048xf32, #tpu.memory_space<vmem_shared>>) target(%dma_start3A_124 : memref<8x2048xf32, #tpu.memory_space<hbm>>) target_semaphore(%arg20 : memref<!tpu.dma_semaphore, #tpu.memory_space<semaphore_mem>>)
      %add3A_129 = arith.constant 4 : i32
      %add3A_130 = arith.addi %add3A_89, %add3A_129 : i32
      %lt3A_131 = arith.constant 64 : i32
      %lt3A_132 = arith.cmpi slt, %add3A_130, %lt3A_131 : i32
      %convert_element_type3A_133 = arith.extui %lt3A_132 : i1 to i32
      %cond3A_134 = arith.constant 0 : i32
      %cond3A_135 = arith.cmpi ne, %convert_element_type3A_133, %cond3A_134 : i32
      scf.if %cond3A_135 {
        %add3A_232 = arith.constant 4 : i32
        %add3A_233 = arith.addi %add3A_89, %add3A_232 : i32
        %mul3A_234 = arith.constant 8 : i32
        %mul3A_235 = arith.muli %add3A_233, %mul3A_234 : i32
        %dma_start3A_236 = tpu.memref_slice %arg5[%mul3A_235] : memref<512xi32, #tpu.memory_space<vmem>> -> memref<8xi32, #tpu.memory_space<vmem>>
        %dma_start3A_237 = arith.constant 0 : i32
        %dma_start3A_238 = arith.constant 0 : i32
        %dma_start3A_239 = tpu.memref_slice %arg2[%dma_start3A_237, %dma_start3A_238] : memref<1000x2048xf32, #tpu.memory_space<hbm>> -> memref<1000x2048xf32, #tpu.memory_space<hbm>>
        tpu.enqueue_indirect_dma source(%dma_start3A_239 : memref<1000x2048xf32, #tpu.memory_space<hbm>>) target(%arg8 : memref<8x2048xf32, #tpu.memory_space<vmem>>) offsets(%dma_start3A_236 : memref<8xi32, #tpu.memory_space<vmem>>) semaphore(%arg12 : memref<!tpu.dma_semaphore, #tpu.memory_space<semaphore_mem>>)
      } else {
      }
      %add3A_136 = arith.constant 2 : i32
      %add3A_137 = arith.addi %add3A_43, %add3A_136 : i32
      %dma_wait3A_138 = arith.constant 0 : i32
      %dma_wait3A_139 = tpu.memref_slice %arg5[%dma_wait3A_138] : memref<512xi32, #tpu.memory_space<vmem>> -> memref<8xi32, #tpu.memory_space<vmem>>
      %dma_wait3A_140 = arith.constant 0 : i32
      %dma_wait3A_141 = arith.constant 0 : i32
      %dma_wait3A_142 = tpu.memref_slice %arg2[%dma_wait3A_140, %dma_wait3A_141] : memref<1000x2048xf32, #tpu.memory_space<hbm>> -> memref<1000x2048xf32, #tpu.memory_space<hbm>>
      tpu.wait_indirect_dma semaphore(%arg13 : memref<!tpu.dma_semaphore, #tpu.memory_space<semaphore_mem>>) src(%dma_wait3A_142 : memref<1000x2048xf32, #tpu.memory_space<hbm>>) dst(%arg9 : memref<8x2048xf32, #tpu.memory_space<vmem>>)
      %ge3A_143 = arith.constant 2 : i32
      %ge3A_144 = arith.cmpi sge, %add3A_137, %ge3A_143 : i32
      %convert_element_type3A_145 = arith.extui %ge3A_144 : i1 to i32
      %cond3A_146 = arith.constant 0 : i32
      %cond3A_147 = arith.constant 0 : i32
      %cond3A_148 = arith.cmpi ne, %convert_element_type3A_145, %cond3A_147 : i32
      scf.if %cond3A_148 {
        %dma_wait3A_232 = arith.constant 0 : i32
        %dma_wait3A_233 = tpu.memref_slice %arg4[%mul3A_2, %dma_wait3A_232] : memref<16384x2048xf32, #tpu.memory_space<hbm>> -> memref<8x2048xf32, #tpu.memory_space<hbm>>
        %dma_wait3A_234 = arith.constant 0 : i32
        %dma_wait3A_235 = arith.constant 0 : i32
        %dma_wait3A_236 = tpu.memref_slice %arg6[%arg1, %cond3A_146, %dma_wait3A_234, %dma_wait3A_235] : memref<16x2x8x2048xf32, #tpu.memory_space<vmem_shared>> -> memref<1x1x8x2048xf32, #tpu.memory_space<vmem_shared>>
        %dma_wait3A_237 = tpu.memref_squeeze %dma_wait3A_236 : memref<1x1x8x2048xf32, #tpu.memory_space<vmem_shared>> -> memref<8x2048xf32, #tpu.memory_space<vmem_shared>>
        tpu.wait_dma2 semaphore(%arg19 : memref<!tpu.dma_semaphore, #tpu.memory_space<semaphore_mem>>) src(%dma_wait3A_237 : memref<8x2048xf32, #tpu.memory_space<vmem_shared>>) dst(%dma_wait3A_233 : memref<8x2048xf32, #tpu.memory_space<hbm>>)
      } else {
      }
      %dma_start3A_149 = arith.constant 0 : i32
      %dma_start3A_150 = arith.constant 0 : i32
      %dma_start3A_151 = arith.constant 0 : i32
      %dma_start3A_152 = tpu.memref_slice %arg6[%arg1, %dma_start3A_149, %dma_start3A_150, %dma_start3A_151] : memref<16x2x8x2048xf32, #tpu.memory_space<vmem_shared>> -> memref<1x1x8x2048xf32, #tpu.memory_space<vmem_shared>>
      %dma_start3A_153 = tpu.memref_squeeze %dma_start3A_152 : memref<1x1x8x2048xf32, #tpu.memory_space<vmem_shared>> -> memref<8x2048xf32, #tpu.memory_space<vmem_shared>>
      %dma_start3A_154 = arith.constant 0 : i32
      %dma_start3A_155 = arith.constant 0 : i32
      %dma_start3A_156 = tpu.memref_slice %arg6[%arg1, %dma_start3A_149, %dma_start3A_154, %dma_start3A_155] : memref<16x2x8x2048xf32, #tpu.memory_space<vmem_shared>> -> memref<1x1x8x2048xf32, #tpu.memory_space<vmem_shared>>
      %dma_start3A_157 = tpu.memref_squeeze %dma_start3A_156 : memref<1x1x8x2048xf32, #tpu.memory_space<vmem_shared>> -> memref<8x2048xf32, #tpu.memory_space<vmem_shared>>
      tpu.enqueue_dma source(%arg9 : memref<8x2048xf32, #tpu.memory_space<vmem>>) target(%dma_start3A_157 : memref<8x2048xf32, #tpu.memory_space<vmem_shared>>) target_semaphore(%arg17 : memref<!tpu.dma_semaphore, #tpu.memory_space<semaphore_mem>>)
      %dma_wait3A_158 = arith.constant 0 : i32
      %dma_wait3A_159 = arith.constant 0 : i32
      %dma_wait3A_160 = arith.constant 0 : i32
      %dma_wait3A_161 = tpu.memref_slice %arg6[%arg1, %dma_wait3A_158, %dma_wait3A_159, %dma_wait3A_160] : memref<16x2x8x2048xf32, #tpu.memory_space<vmem_shared>> -> memref<1x1x8x2048xf32, #tpu.memory_space<vmem_shared>>
      %dma_wait3A_162 = tpu.memref_squeeze %dma_wait3A_161 : memref<1x1x8x2048xf32, #tpu.memory_space<vmem_shared>> -> memref<8x2048xf32, #tpu.memory_space<vmem_shared>>
      %dma_wait3A_163 = arith.constant 0 : i32
      %dma_wait3A_164 = arith.constant 0 : i32
      %dma_wait3A_165 = tpu.memref_slice %arg6[%arg1, %dma_wait3A_158, %dma_wait3A_163, %dma_wait3A_164] : memref<16x2x8x2048xf32, #tpu.memory_space<vmem_shared>> -> memref<1x1x8x2048xf32, #tpu.memory_space<vmem_shared>>
      %dma_wait3A_166 = tpu.memref_squeeze %dma_wait3A_165 : memref<1x1x8x2048xf32, #tpu.memory_space<vmem_shared>> -> memref<8x2048xf32, #tpu.memory_space<vmem_shared>>
      tpu.wait_dma2 semaphore(%arg17 : memref<!tpu.dma_semaphore, #tpu.memory_space<semaphore_mem>>) src(%arg9 : memref<8x2048xf32, #tpu.memory_space<vmem>>) dst(%dma_wait3A_166 : memref<8x2048xf32, #tpu.memory_space<vmem_shared>>)
      %mul3A_167 = arith.constant 8 : i32
      %mul3A_168 = arith.muli %add3A_137, %mul3A_167 : i32
      %add3A_169 = arith.addi %mul3A_2, %mul3A_168 : i32
      %dma_start3A_170 = arith.constant 0 : i32
      %dma_start3A_171 = arith.constant 0 : i32
      %dma_start3A_172 = tpu.memref_slice %arg4[%add3A_169, %dma_start3A_171] : memref<16384x2048xf32, #tpu.memory_space<hbm>> -> memref<8x2048xf32, #tpu.memory_space<hbm>>
      %dma_start3A_173 = arith.constant 0 : i32
      %dma_start3A_174 = arith.constant 0 : i32
      %dma_start3A_175 = tpu.memref_slice %arg6[%arg1, %dma_start3A_170, %dma_start3A_173, %dma_start3A_174] : memref<16x2x8x2048xf32, #tpu.memory_space<vmem_shared>> -> memref<1x1x8x2048xf32, #tpu.memory_space<vmem_shared>>
      %dma_start3A_176 = tpu.memref_squeeze %dma_start3A_175 : memref<1x1x8x2048xf32, #tpu.memory_space<vmem_shared>> -> memref<8x2048xf32, #tpu.memory_space<vmem_shared>>
      tpu.enqueue_dma source(%dma_start3A_176 : memref<8x2048xf32, #tpu.memory_space<vmem_shared>>) target(%dma_start3A_172 : memref<8x2048xf32, #tpu.memory_space<hbm>>) target_semaphore(%arg19 : memref<!tpu.dma_semaphore, #tpu.memory_space<semaphore_mem>>)
      %add3A_177 = arith.constant 4 : i32
      %add3A_178 = arith.addi %add3A_137, %add3A_177 : i32
      %lt3A_179 = arith.constant 64 : i32
      %lt3A_180 = arith.cmpi slt, %add3A_178, %lt3A_179 : i32
      %convert_element_type3A_181 = arith.extui %lt3A_180 : i1 to i32
      %cond3A_182 = arith.constant 0 : i32
      %cond3A_183 = arith.cmpi ne, %convert_element_type3A_181, %cond3A_182 : i32
      scf.if %cond3A_183 {
        %add3A_232 = arith.constant 4 : i32
        %add3A_233 = arith.addi %add3A_137, %add3A_232 : i32
        %mul3A_234 = arith.constant 8 : i32
        %mul3A_235 = arith.muli %add3A_233, %mul3A_234 : i32
        %dma_start3A_236 = tpu.memref_slice %arg5[%mul3A_235] : memref<512xi32, #tpu.memory_space<vmem>> -> memref<8xi32, #tpu.memory_space<vmem>>
        %dma_start3A_237 = arith.constant 0 : i32
        %dma_start3A_238 = arith.constant 0 : i32
        %dma_start3A_239 = tpu.memref_slice %arg2[%dma_start3A_237, %dma_start3A_238] : memref<1000x2048xf32, #tpu.memory_space<hbm>> -> memref<1000x2048xf32, #tpu.memory_space<hbm>>
        tpu.enqueue_indirect_dma source(%dma_start3A_239 : memref<1000x2048xf32, #tpu.memory_space<hbm>>) target(%arg9 : memref<8x2048xf32, #tpu.memory_space<vmem>>) offsets(%dma_start3A_236 : memref<8xi32, #tpu.memory_space<vmem>>) semaphore(%arg13 : memref<!tpu.dma_semaphore, #tpu.memory_space<semaphore_mem>>)
      } else {
      }
      %add3A_184 = arith.constant 3 : i32
      %add3A_185 = arith.addi %add3A_43, %add3A_184 : i32
      %dma_wait3A_186 = arith.constant 0 : i32
      %dma_wait3A_187 = tpu.memref_slice %arg5[%dma_wait3A_186] : memref<512xi32, #tpu.memory_space<vmem>> -> memref<8xi32, #tpu.memory_space<vmem>>
      %dma_wait3A_188 = arith.constant 0 : i32
      %dma_wait3A_189 = arith.constant 0 : i32
      %dma_wait3A_190 = tpu.memref_slice %arg2[%dma_wait3A_188, %dma_wait3A_189] : memref<1000x2048xf32, #tpu.memory_space<hbm>> -> memref<1000x2048xf32, #tpu.memory_space<hbm>>
      tpu.wait_indirect_dma semaphore(%arg14 : memref<!tpu.dma_semaphore, #tpu.memory_space<semaphore_mem>>) src(%dma_wait3A_190 : memref<1000x2048xf32, #tpu.memory_space<hbm>>) dst(%arg10 : memref<8x2048xf32, #tpu.memory_space<vmem>>)
      %ge3A_191 = arith.constant 2 : i32
      %ge3A_192 = arith.cmpi sge, %add3A_185, %ge3A_191 : i32
      %convert_element_type3A_193 = arith.extui %ge3A_192 : i1 to i32
      %cond3A_194 = arith.constant 1 : i32
      %cond3A_195 = arith.constant 0 : i32
      %cond3A_196 = arith.cmpi ne, %convert_element_type3A_193, %cond3A_195 : i32
      scf.if %cond3A_196 {
        %dma_wait3A_232 = arith.constant 0 : i32
        %dma_wait3A_233 = tpu.memref_slice %arg4[%mul3A_2, %dma_wait3A_232] : memref<16384x2048xf32, #tpu.memory_space<hbm>> -> memref<8x2048xf32, #tpu.memory_space<hbm>>
        %dma_wait3A_234 = arith.constant 0 : i32
        %dma_wait3A_235 = arith.constant 0 : i32
        %dma_wait3A_236 = tpu.memref_slice %arg6[%arg1, %cond3A_194, %dma_wait3A_234, %dma_wait3A_235] : memref<16x2x8x2048xf32, #tpu.memory_space<vmem_shared>> -> memref<1x1x8x2048xf32, #tpu.memory_space<vmem_shared>>
        %dma_wait3A_237 = tpu.memref_squeeze %dma_wait3A_236 : memref<1x1x8x2048xf32, #tpu.memory_space<vmem_shared>> -> memref<8x2048xf32, #tpu.memory_space<vmem_shared>>
        tpu.wait_dma2 semaphore(%arg20 : memref<!tpu.dma_semaphore, #tpu.memory_space<semaphore_mem>>) src(%dma_wait3A_237 : memref<8x2048xf32, #tpu.memory_space<vmem_shared>>) dst(%dma_wait3A_233 : memref<8x2048xf32, #tpu.memory_space<hbm>>)
      } else {
      }
      %dma_start3A_197 = arith.constant 1 : i32
      %dma_start3A_198 = arith.constant 0 : i32
      %dma_start3A_199 = arith.constant 0 : i32
      %dma_start3A_200 = tpu.memref_slice %arg6[%arg1, %dma_start3A_197, %dma_start3A_198, %dma_start3A_199] : memref<16x2x8x2048xf32, #tpu.memory_space<vmem_shared>> -> memref<1x1x8x2048xf32, #tpu.memory_space<vmem_shared>>
      %dma_start3A_201 = tpu.memref_squeeze %dma_start3A_200 : memref<1x1x8x2048xf32, #tpu.memory_space<vmem_shared>> -> memref<8x2048xf32, #tpu.memory_space<vmem_shared>>
      %dma_start3A_202 = arith.constant 0 : i32
      %dma_start3A_203 = arith.constant 0 : i32
      %dma_start3A_204 = tpu.memref_slice %arg6[%arg1, %dma_start3A_197, %dma_start3A_202, %dma_start3A_203] : memref<16x2x8x2048xf32, #tpu.memory_space<vmem_shared>> -> memref<1x1x8x2048xf32, #tpu.memory_space<vmem_shared>>
      %dma_start3A_205 = tpu.memref_squeeze %dma_start3A_204 : memref<1x1x8x2048xf32, #tpu.memory_space<vmem_shared>> -> memref<8x2048xf32, #tpu.memory_space<vmem_shared>>
      tpu.enqueue_dma source(%arg10 : memref<8x2048xf32, #tpu.memory_space<vmem>>) target(%dma_start3A_205 : memref<8x2048xf32, #tpu.memory_space<vmem_shared>>) target_semaphore(%arg18 : memref<!tpu.dma_semaphore, #tpu.memory_space<semaphore_mem>>)
      %dma_wait3A_206 = arith.constant 1 : i32
      %dma_wait3A_207 = arith.constant 0 : i32
      %dma_wait3A_208 = arith.constant 0 : i32
      %dma_wait3A_209 = tpu.memref_slice %arg6[%arg1, %dma_wait3A_206, %dma_wait3A_207, %dma_wait3A_208] : memref<16x2x8x2048xf32, #tpu.memory_space<vmem_shared>> -> memref<1x1x8x2048xf32, #tpu.memory_space<vmem_shared>>
      %dma_wait3A_210 = tpu.memref_squeeze %dma_wait3A_209 : memref<1x1x8x2048xf32, #tpu.memory_space<vmem_shared>> -> memref<8x2048xf32, #tpu.memory_space<vmem_shared>>
      %dma_wait3A_211 = arith.constant 0 : i32
      %dma_wait3A_212 = arith.constant 0 : i32
      %dma_wait3A_213 = tpu.memref_slice %arg6[%arg1, %dma_wait3A_206, %dma_wait3A_211, %dma_wait3A_212] : memref<16x2x8x2048xf32, #tpu.memory_space<vmem_shared>> -> memref<1x1x8x2048xf32, #tpu.memory_space<vmem_shared>>
      %dma_wait3A_214 = tpu.memref_squeeze %dma_wait3A_213 : memref<1x1x8x2048xf32, #tpu.memory_space<vmem_shared>> -> memref<8x2048xf32, #tpu.memory_space<vmem_shared>>
      tpu.wait_dma2 semaphore(%arg18 : memref<!tpu.dma_semaphore, #tpu.memory_space<semaphore_mem>>) src(%arg10 : memref<8x2048xf32, #tpu.memory_space<vmem>>) dst(%dma_wait3A_214 : memref<8x2048xf32, #tpu.memory_space<vmem_shared>>)
      %mul3A_215 = arith.constant 8 : i32
      %mul3A_216 = arith.muli %add3A_185, %mul3A_215 : i32
      %add3A_217 = arith.addi %mul3A_2, %mul3A_216 : i32
      %dma_start3A_218 = arith.constant 1 : i32
      %dma_start3A_219 = arith.constant 0 : i32
      %dma_start3A_220 = tpu.memref_slice %arg4[%add3A_217, %dma_start3A_219] : memref<16384x2048xf32, #tpu.memory_space<hbm>> -> memref<8x2048xf32, #tpu.memory_space<hbm>>
      %dma_start3A_221 = arith.constant 0 : i32
      %dma_start3A_222 = arith.constant 0 : i32
      %dma_start3A_223 = tpu.memref_slice %arg6[%arg1, %dma_start3A_218, %dma_start3A_221, %dma_start3A_222] : memref<16x2x8x2048xf32, #tpu.memory_space<vmem_shared>> -> memref<1x1x8x2048xf32, #tpu.memory_space<vmem_shared>>
      %dma_start3A_224 = tpu.memref_squeeze %dma_start3A_223 : memref<1x1x8x2048xf32, #tpu.memory_space<vmem_shared>> -> memref<8x2048xf32, #tpu.memory_space<vmem_shared>>
      tpu.enqueue_dma source(%dma_start3A_224 : memref<8x2048xf32, #tpu.memory_space<vmem_shared>>) target(%dma_start3A_220 : memref<8x2048xf32, #tpu.memory_space<hbm>>) target_semaphore(%arg20 : memref<!tpu.dma_semaphore, #tpu.memory_space<semaphore_mem>>)
      %add3A_225 = arith.constant 4 : i32
      %add3A_226 = arith.addi %add3A_185, %add3A_225 : i32
      %lt3A_227 = arith.constant 64 : i32
      %lt3A_228 = arith.cmpi slt, %add3A_226, %lt3A_227 : i32
      %convert_element_type3A_229 = arith.extui %lt3A_228 : i1 to i32
      %cond3A_230 = arith.constant 0 : i32
      %cond3A_231 = arith.cmpi ne, %convert_element_type3A_229, %cond3A_230 : i32
      scf.if %cond3A_231 {
        %add3A_232 = arith.constant 4 : i32
        %add3A_233 = arith.addi %add3A_185, %add3A_232 : i32
        %mul3A_234 = arith.constant 8 : i32
        %mul3A_235 = arith.muli %add3A_233, %mul3A_234 : i32
        %dma_start3A_236 = tpu.memref_slice %arg5[%mul3A_235] : memref<512xi32, #tpu.memory_space<vmem>> -> memref<8xi32, #tpu.memory_space<vmem>>
        %dma_start3A_237 = arith.constant 0 : i32
        %dma_start3A_238 = arith.constant 0 : i32
        %dma_start3A_239 = tpu.memref_slice %arg2[%dma_start3A_237, %dma_start3A_238] : memref<1000x2048xf32, #tpu.memory_space<hbm>> -> memref<1000x2048xf32, #tpu.memory_space<hbm>>
        tpu.enqueue_indirect_dma source(%dma_start3A_239 : memref<1000x2048xf32, #tpu.memory_space<hbm>>) target(%arg10 : memref<8x2048xf32, #tpu.memory_space<vmem>>) offsets(%dma_start3A_236 : memref<8xi32, #tpu.memory_space<vmem>>) semaphore(%arg14 : memref<!tpu.dma_semaphore, #tpu.memory_space<semaphore_mem>>)
      } else {
      }
    }
    %scan3A_25 = arith.constant 16 : i32
    %dma_wait3A = arith.constant 0 : i32
    %dma_wait3A_26 = arith.constant 0 : i32
    %dma_wait3A_27 = tpu.memref_slice %arg4[%mul3A_2, %dma_wait3A_26] : memref<16384x2048xf32, #tpu.memory_space<hbm>> -> memref<8x2048xf32, #tpu.memory_space<hbm>>
    %dma_wait3A_28 = arith.constant 0 : i32
    %dma_wait3A_29 = arith.constant 0 : i32
    %dma_wait3A_30 = tpu.memref_slice %arg6[%arg1, %dma_wait3A, %dma_wait3A_28, %dma_wait3A_29] : memref<16x2x8x2048xf32, #tpu.memory_space<vmem_shared>> -> memref<1x1x8x2048xf32, #tpu.memory_space<vmem_shared>>
    %dma_wait3A_31 = tpu.memref_squeeze %dma_wait3A_30 : memref<1x1x8x2048xf32, #tpu.memory_space<vmem_shared>> -> memref<8x2048xf32, #tpu.memory_space<vmem_shared>>
    tpu.wait_dma2 semaphore(%arg19 : memref<!tpu.dma_semaphore, #tpu.memory_space<semaphore_mem>>) src(%dma_wait3A_31 : memref<8x2048xf32, #tpu.memory_space<vmem_shared>>) dst(%dma_wait3A_27 : memref<8x2048xf32, #tpu.memory_space<hbm>>)
    %dma_wait3A_32 = arith.constant 1 : i32
    %dma_wait3A_33 = arith.constant 0 : i32
    %dma_wait3A_34 = tpu.memref_slice %arg4[%mul3A_2, %dma_wait3A_33] : memref<16384x2048xf32, #tpu.memory_space<hbm>> -> memref<8x2048xf32, #tpu.memory_space<hbm>>
    %dma_wait3A_35 = arith.constant 0 : i32
    %dma_wait3A_36 = arith.constant 0 : i32
    %dma_wait3A_37 = tpu.memref_slice %arg6[%arg1, %dma_wait3A_32, %dma_wait3A_35, %dma_wait3A_36] : memref<16x2x8x2048xf32, #tpu.memory_space<vmem_shared>> -> memref<1x1x8x2048xf32, #tpu.memory_space<vmem_shared>>
    %dma_wait3A_38 = tpu.memref_squeeze %dma_wait3A_37 : memref<1x1x8x2048xf32, #tpu.memory_space<vmem_shared>> -> memref<8x2048xf32, #tpu.memory_space<vmem_shared>>
    tpu.wait_dma2 semaphore(%arg20 : memref<!tpu.dma_semaphore, #tpu.memory_space<semaphore_mem>>) src(%dma_wait3A_38 : memref<8x2048xf32, #tpu.memory_space<vmem_shared>>) dst(%dma_wait3A_34 : memref<8x2048xf32, #tpu.memory_space<hbm>>)
    return
  }
}

</mosaic_0001>

<sc_bundles>
// kernel: kernel.3.cloned.1.call-start
scs
__scs_entry_jumppad:
0x0: {  	(pc) =	sbr.rel $0x88, $3  }
0x1: {  	(tag) =	ssettag $0x0;
	lr =	simm.s32 $0x1  }
0x2: {  	[smem:$0x3F9F] =	sst lr;
	_ =	strace $0xD0000000  }
0x3: {  	_ = 	snop  }
0x4: {  	_ = 	snop  }
0x5: {  	_ = 	snop  }
0x6: {  	_ = 	snop  }
0x7: {  	_ = 	snop  }
__scs_overlays_trampoline_lowered:
0x8: {  	[smem:$0x3FAE] =	sst s0  }
0x9: {  	[smem:$0x3FAF] =	sst s1  }
0xa: {  	[smem:$0x3FB0] =	sst s2  }
0xb: {  	[smem:$0x3FB1] =	sst s3  }
0xc: {  	[smem:$0x3FB2] =	sst s4  }
0xd: {  	[smem:$0x3FB3] =	sst s5  }
0xe: {  	[smem:$0x3FB4] =	sst s6  }
0xf: {  	[smem:$0x3FB5] =	sst s7  }
0x10: {  	[smem:$0x3FB6] =	sst s8  }
0x11: {  	[smem:$0x3FB7] =	sst s9;
	s0 =	simm.s32 @!p0 $0x0  }
0x12: {  	s1 =	sld [smem:$0x3F9D];
	s0 =	simm.s32 @p0 $0x1  }
0x13: {  	[smem:$0x3FB8] =	sst s0;
	s0 =	simm.s32 @!p1 $0x0  }
0x14: {  	s2 =	sld [smem:$0x3F9C];
	s0 =	simm.s32 @p1 $0x1  }
0x15: {  	[smem:$0x3FB9] =	sst s0;
	s0 =	simm.s32 @!p2 $0x0  }
0x16: {  	s3 =	sld [smem:$0x3FDB];
	s0 =	simm.s32 @p2 $0x1  }
0x17: {  	s4 =	simm.s32 $0x1BF5;
	[smem:$0x3FBB] =	sst s0  }
0x18: {  	s0 =	sld [smem:$0x3F9E];
	_ =	swait.ge [sflag:s4], $0x0  }
0x19: {  	s7 =	sld [smem:$0x3F9F]  }
0x1a: {  	s8 =	sadd.s32 $0xFFFFE003, lr  }
0x1b: {  	s9 =	sadd.s32 $0xFFFFFEF7, lr;
	s5 =	simm.s32 $0xFFFFFFFF;
	p2 =	slt.u32 s8, $0xFFFFF086  }
0x1c: {  	p1 =	slt.u32 s9, $0xF7A;
	s5 =	simm.s32 @!p2 $0x0  }
0x1d: {  	s5 =	simm.s32 @p1 $0x1;
	p0 =	seq.s32 s7, s2  }
0x1e: {  	s7 =	smul.u32 @!p0 $0xF7A, s2;
	p2 =	seq.s32 @!p0 s5, $0x0  }
0x1f: {  	s9 =	smul.u32 $0xF7A, s1;
	s8 =	simm.s32 @!p0 $0x1BF5;
	p2 =	por !p2, p0  }
0x20: {  	[sflag:s8] =	ssyncset.s32 @!p0 $0xFFFFF086;
	s6 =	sadd.s32 @!p0 s3, s7;
	s7 =	simm.s32 @!p0 $0x108  }
0x21: {  	s3 =	sadd.s32 s3, s9;
	s6 =	sadd.s32 @!p0 $0x88, s6;
	s7 =	simm.s32 @p2 $0x1082  }
0x22: {  	[simem:s7], [sflag:s8] =	dma.local @!p0 [hbm:s6], $0xF7A  }
0x23: {  	s9 =	sor.u32 $0xD0000000, s2;
	s6 =	simm.s32 $0x108;
	_ =	swait.ge @!p0 [sflag:s8], $0x0  }
0x24: {  	s3 =	sadd.s32 $0x88, s3;
	s6 =	simm.s32 @!p1 $0x1082;
	[sflag:s4] =	ssyncset.s32 $0xFFFFF086  }
0x25: {  	[simem:s6], [sflag:s4] =	dma.local [hbm:s3], $0xF7A  }
0x26: {  	[smem:$0x3F9F] =	sst s1;
	(tag) =	ssettag s2;
	_ =	strace s9  }
0x27: {  	s1 =	sld [smem:$0x3FAF]  }
0x28: {  	s2 =	sld [smem:$0x3FB0]  }
0x29: {  	s4 =	sld [smem:$0x3FB2]  }
0x2a: {  	p0 =	seq.s32 s5, $0x0;
	s5 =	sld [smem:$0x3FB3]  }
0x2b: {  	s6 =	sld [smem:$0x3FB4]  }
0x2c: {  	s7 =	sld [smem:$0x3FB5]  }
0x2d: {  	s3 =	simm.s32 $0x108;
	s8 =	sld [smem:$0x3FB6]  }
0x2e: {  	s3 =	simm.s32 @!p0 $0x1082;
	s9 =	sld [smem:$0x3FB7]  }
0x2f: {  	lr =	sadd.s32 s0, s3;
	s0 =	sld [smem:$0x3FAE]  }
0x30: {  	s3 =	sld [smem:$0x3FB1]  }
0x31: {  	[smem:$0x3FBA] =	sst s10  }
0x32: {  	s10 =	sld [smem:$0x3FB8];
	_ =	sdelay $0x3  }
0x33: {  	p0 =	seq.s32 s10, $0x1;
	s10 =	sld [smem:$0x3FBA];
	_ =	sdelay $0x3  }
0x34: {  	[smem:$0x3FBA] =	sst s10  }
0x35: {  	s10 =	sld [smem:$0x3FB9];
	_ =	sdelay $0x3  }
0x36: {  	p1 =	seq.s32 s10, $0x1;
	s10 =	sld [smem:$0x3FBA];
	_ =	sdelay $0x3  }
0x37: {  	[smem:$0x3FBA] =	sst s10  }
0x38: {  	s10 =	sld [smem:$0x3FBB]  }
0x39: {  	_ = 	snop;
	(pc) =	sbr.ind lr, $3  }
0x3a: {  	_ = 	snop  }
0x3b: {  	_ = 	snop  }
0x3c: {  	p2 =	seq.s32 s10, $0x1;
	s10 =	sld [smem:$0x3FBA]  }
0x3d: {  	_ =	shalt  }
0x3e: {  	_ =	shalt  }
0x3f: {  	_ =	shalt  }
0x40: {  	_ =	shalt  }
0x41: {  	_ =	shalt  }
0x42: {  	_ =	shalt  }
0x43: {  	_ =	shalt  }
0x44: {  	_ =	shalt  }
0x45: {  	_ =	shalt  }
0x46: {  	_ =	shalt  }
0x47: {  	_ =	shalt  }
0x48: {  	_ =	shalt  }
0x49: {  	_ =	shalt  }
0x4a: {  	_ =	shalt  }
0x4b: {  	_ =	shalt  }
0x4c: {  	_ =	shalt  }
0x4d: {  	_ =	shalt  }
0x4e: {  	_ =	shalt  }
0x4f: {  	_ =	shalt  }
0x50: {  	_ =	shalt  }
0x51: {  	_ =	shalt  }
0x52: {  	_ =	shalt  }
0x53: {  	_ =	shalt  }
0x54: {  	_ =	shalt  }
0x55: {  	_ =	shalt  }
0x56: {  	_ =	shalt  }
0x57: {  	_ =	shalt  }
0x58: {  	_ =	shalt  }
0x59: {  	_ =	shalt  }
0x5a: {  	_ =	shalt  }
0x5b: {  	_ =	shalt  }
0x5c: {  	_ =	shalt  }
0x5d: {  	_ =	shalt  }
0x5e: {  	_ =	shalt  }
0x5f: {  	_ =	shalt  }
0x60: {  	_ =	shalt  }
0x61: {  	_ =	shalt  }
0x62: {  	_ =	shalt  }
0x63: {  	_ =	shalt  }
0x64: {  	_ =	shalt  }
0x65: {  	_ =	shalt  }
0x66: {  	_ =	shalt  }
0x67: {  	_ =	shalt  }
0x68: {  	_ =	shalt  }
0x69: {  	_ =	shalt  }
0x6a: {  	_ =	shalt  }
0x6b: {  	_ =	shalt  }
0x6c: {  	_ =	shalt  }
0x6d: {  	_ =	shalt  }
0x6e: {  	_ =	shalt  }
0x6f: {  	_ =	shalt  }
0x70: {  	_ =	shalt  }
0x71: {  	_ =	shalt  }
0x72: {  	_ =	shalt  }
0x73: {  	_ =	shalt  }
0x74: {  	_ =	shalt  }
0x75: {  	_ =	shalt  }
0x76: {  	_ =	shalt  }
0x77: {  	_ =	shalt  }
0x78: {  	_ =	shalt  }
0x79: {  	_ =	shalt  }
0x7a: {  	_ =	shalt  }
0x7b: {  	_ =	shalt  }
0x7c: {  	_ =	shalt  }
0x7d: {  	_ =	shalt  }
0x7e: {  	_ =	shalt  }
0x7f: {  	_ =	shalt  }
0x80: {  	_ =	shalt  }
0x81: {  	_ =	shalt  }
0x82: {  	_ =	shalt  }
0x83: {  	_ =	shalt  }
0x84: {  	_ =	shalt  }
0x85: {  	_ =	shalt  }
0x86: {  	_ =	shalt  }
0x87: {  	_ =	shalt  }
.Lfunc_end0:
.L_simem_size_0:
called_computation_lowered:
.L_overlay_start_0:
0x88: {  	s2 =	sld [smem:$0x3FD9]  }
0x89: {  	s3 =	sld [smem:$0x3FFE];
	_ =	sdelay $0x1  }
0x8a: {  	s1 =	srdreg.scid  }
0x8b: {  	s0 =	sand.u32 $0x1, s1  }
0x8c: {  	s18 =	sshll.u32 s0, $0xA;
	s2 =	sadd.s32 s3, s2  }
0x8d: {  	s2 =	sadd.s32 s2, s18  }
0x8e: {  	[smem:$0x3FC6] =	sst s2  }
0x8f: {  	_ = 	snop  }
0x90: {  	s2 =	sld [smem:$0x3FC9]  }
0x91: {  	s19 =	sld [smem:$0x3FC8]  }
0x92: {  	s4 =	sld [smem:$0x3FD0];
	(tm) =	ssettm $0x1  }
0x93: {  	s5 =	sld [smem:$0x3FFB];
	_ =	sdelay $0x3  }
0x94: {  	_ =	strace s5  }
0x95: {  	s5 =	sld [smem:$0x3FFC];
	_ =	sdelay $0x3  }
0x96: {  	_ =	strace s5  }
0x97: {  	s5 =	sld [smem:$0x3FFD];
	_ =	sdelay $0x3  }
0x98: {  	_ =	strace s5  }
0x99: {  	_ =	strace $0x8FFFFFFF  }
0x9a: {  	s20 =	sld [smem:$0x3FDB];
	_ =	sdelay $0x1  }
0x9b: {  	s6 =	simm.s32 $_scs_section_size  }
0x9c: {  	s7 =	simm.s32 $_size__tile_overlayer_lowered;
	s8 =	simm.s32 $_tile_overlayer_lowered  }
0x9d: {  	s23 =	simm.s32 $0x1BFF;
	s22 =	sshll.u32 s8, $0x1;
	s5 =	sadd.s32 s6, s20  }
0x9e: {  	s9 =	simm.s32 $0x0;
	s21 =	sshll.u32 s7, $0x1;
	s7 =	sadd.s32 s22, s5  }
0x9f: {  	[timem:s9], [sflag:s23] =	dma.local [hbm:s7], s21  }
0xa0: {  	_ =	swait.ge [sflag:s23], s21  }
0xa1: {  	s6 =	ssub.s32 $0x0, s21;
	[sflag:s23] =	ssyncset.done $0x0  }
0xa2: {  	[sflag:s23] =	ssyncadd.s32 s6;
	_ =	sdelay $0x1  }
0xa3: {  	s24 =	simm.s32 $0x1B8B  }
0xa4: {  	_ =	swait.ge [sflag:s24], $0x1  }
0xa5: {  	[sflag:s24] =	ssyncset.done $0x0  }
0xa6: {  	s25 =	simm.s32 $0x1B8E;
	[sflag:s24] =	ssyncadd.s32 $0xFFFFFFFF  }
0xa7: {  	s26 =	simm.s32 $execute0_lowered;
	[smem:$0x3FD2] =	sst s25  }
0xa8: {  	s6 =	sshll.u32 s26, $0x1;
	_ =	strace $0x80000046;
	[dreg:$0x1] =	wrdreg $0xFFFFFFFF  }
0xa9: {  	s28 =	simm.s32 $_size_execute0_lowered;
	s5 =	sadd.s32 s5, s6;
	[dreg:$0x0] =	wrdreg $0x0  }
0xaa: {  	s6 =	sshll.u32 s28, $0x1;
	[dreg:$0x2] =	wrdreg s5  }
0xab: {  	[dreg:$0x3] =	wrdreg s6  }
0xac: {  	[dreg:$0x4] =	wrdreg $0xC0  }
0xad: {  	_ =	task [dreg:s9], $0x5FFFF  }
0xae: {  	[dreg:$0x1] =	wrdreg $0xFFFFFFFF  }
0xaf: {  	[dreg:$0x0] =	wrdreg $0x60  }
0xb0: {  	[dreg:$0x2] =	wrdreg s19  }
0xb1: {  	[dreg:$0x3] =	wrdreg s2  }
0xb2: {  	[dreg:$0x4] =	wrdreg s4  }
0xb3: {  	[dreg:$0x5] =	wrdreg $0x2000  }
0xb4: {  	[dreg:$0x6] =	wrdreg $0x9  }
0xb5: {  	_ =	task.clear_ibuf [dreg:s9], $0x7FFFF;
	_ =	strace $0x90000046  }
0xb6: {  	s29 =	simm.s32 $0x9;
	_ =	strace $0x80000048  }
0xb7: {  	_ =	swait.ge [sflag:s29], $0x1  }
0xb8: {  	[sflag:s29] =	ssyncadd.s32 $0xFFFFFFFF  }
0xb9: {  	_ =	strace $0x90000048  }
0xba: {  	_ =	sfence  }
0xbb: {  	s30 =	sld [smem:$0x0];
	_ =	sdelay $0x2  }
0xbc: {  	s31 =	sshll.u32 s1, $0xD;
	s1 =	sshrl.u32 s1, $0x2  }
0xbd: {  	s3 =	sand.u32 $0x4000, s31;
	s1 =	sadd.s32 s1, s30  }
0xbe: {  	s0 =	sor.u32 s3, s0;
	s1 =	sshll.u32 s1, $0x11  }
0xbf: {  	s0 =	sor.u32 s1, s0  }
0xc0: {  	s0 =	sadd.s32 $0x8F2B, s0  }
0xc1: {  	[sflag:s0] =	ssyncadd.remote.s32 $0x1  }
0xc2: {  	_ =	sfence.sel $0xFFFF  }
0xc3: {  	[dreg:$0x0] =	wrdreg $0xFFFFFFFF;
	(pc) =	sbr.abs _section_cstart, $3  }
0xc4: {  	[dreg:$0x1] =	wrdreg $0xFFFFFFFF  }
0xc5: {  	_ =	task.clear_ibuf [dreg:s9], $0x2FFFF;
	_ =	strace $0x9FFFFFFF  }
0xc6: {  	(tm) =	ssettm $0x7FFFFFFF  }
0xc7: {  	_ =	shalt  }
tec
execute0_lowered:
.L_overlay_start_1:
0x0: {  	(tag) =	ssettag $0x1  }
0x1: {  	s1 =	rddreg [dreg:$0x0]  }
0x2: {  	s0 =	rddreg [dreg:$0x1]  }
0x3: {  	s2 =	rddreg [dreg:$0x2]  }
0x4: {  	s4 =	rddreg [dreg:$0x3];
	s5 =	srdreg.scid  }
0x5: {  	s3 =	simm.s32 $0x0;
	s16 =	stileid.u32;
	s31 =	simm.s32 $0x14200  }
0x6: {  	s18 =	simm.s32 $0x1;
	s19 =	simm.s32 $0x5;
	s20 =	simm.s32 $0x2  }
0x7: {  	s21 =	simm.s32 $0xA;
	s22 =	simm.s32 $0x6;
	s23 =	simm.s32 $0x3  }
0x8: {  	s28 =	simm.s32 $0x8;
	s14 =	sand.u32 $0x1, s5;
	s6 =	sshll.u32 s16, $0xA  }
0x9: {  	[smem:$0x7FF] =	sst s3;
	s25 =	sshll.u32 s16, $0xF;
	s9 =	sadd.s32 $0x500, s1  }
0xa: {  	s10 =	sadd.s32 $0x600, s1;
	s12 =	sadd.s32 $0x700, s1;
	s26 =	sshll.u32 s16, $0x12  }
0xb: {  	s5 =	ssub.s32 $0x2, s14;
	s7 =	sshll.u32 s14, $0x9;
	_ =	strace $0x80000047  }
0xc: {  	s11 =	sadd.s32 s25, s4;
	s30 =	sshll.u32 s14, $0x11;
	s25 =	simm.s32 $0x4  }
0xd: {  	s4 =	simm.s32 $0x0;
	s8 =	sshrl.u32 s5, $0x1;
	s6 =	sor.u32 s7, s6  }
0xe: {  	s7 =	sadd.s32 $0x300, s1;
	s13 =	sadd.s32 $0x4000, s11;
	s15 =	ssub.s32 s5, s8  }
.Ltmp0:
0xf: {  	s24 =	sshrl.u32 s6, $0x3;
	s5 =	sadd.s32 $0x100, s1;
	(pc) =	sbr.rel .LBB2_1-.Ltmp0, $4  }
0x10: {  	s6 =	sadd.s32 $0x200, s1;
	s8 =	sadd.s32 $0x400, s1;
	s0 =	sadd.s32 s0, s24  }
0x11: {  	v0 =	vlaneseq.u32;
	s29 =	smax.u32 s15, $0x1;
	[dreg:$0x5] =	wrdreg s0;
	s0 =	sadd.s32 s26, s2  }
0x12: {  	v1 =	vshrl.u32 v0, $0x3;
	s15 =	simm.s32 $0x8200;
	[dreg:$0x6] =	wrdreg s29;
	s0 =	sadd.s32 s30, s0  }
0x13: {  	vm0 =	vmmov $0xffff;
	v0 =	vand.u32 $0x7, v0;
	v1 =	vmul.u32 $0x8, v1;
	s24 =	simm.s32 $0x9;
	s2 =	simm.s32 $0x7;
	[dreg:$0x7] =	wrdreg s0  }
.LBB2_8:
0x14: {  	_ =	swait.ge [sflag:s24], $0x800  }
0x15: {  	[sflag:s24] =	ssyncset.done $0x0  }
0x16: {  	[sflag:s24] =	ssyncadd.s32 $0xFFFFF800  }
0x17: {  	_ =	swait.ge [sflag:s21], $0x800  }
0x18: {  	s4 =	rddreg [dreg:$0x8]  }
0x19: {  	s0 =	rddreg [dreg:$0x6];
	s4 =	sadd.s32 $0x1, s4  }
0x1a: {  	p0 =	sne.s32 s4, s0  }
.Ltmp1:
0x1b: {  	_ = 	snop;
	(pc) =	sbr.rel @!p0 .LBB2_9-.Ltmp1, $3  }
0x1c: {  	_ =	sdelay $0x1  }
0x1d: {  	[sflag:s21] =	ssyncset.done $0x0  }
0x1e: {  	s15 =	simm.s32 $0x8200;
	[sflag:s21] =	ssyncadd.s32 $0xFFFFF800  }
.LBB2_1:
0x1f: {  	[dreg:$0x8] =	wrdreg s4  }
0x20: {  	s0 =	rddreg [dreg:$0x5];
	s26 =	simm.s32 $0xB  }
0x21: {  	[tilespmem:s3], [sflag:$0xB] =	stream.linear.gather [hbm4b:s0+s3], $0x200, $0x38;
	[tilespmem:$0x18200] =	vst v63  }
0x22: {  	_ =	swait.ge [sflag:s26], $0x200  }
0x23: {  	[sflag:s26] =	ssyncset.done $0x0  }
0x24: {  	[sflag:s26] =	ssyncadd.s32 $0xFFFFFE00  }
0x25: {  	v2 =	vld.msk [tilespmem:$0x0], $0xff;
	_ =	sdelay $0x4  }
0x26: {  	v3 =	vshll.u32 v2, $0x4  }
0x27: {  	v2 =	vand.u32 $0x7, v2;
	v3 =	vand.u32 $0xFFFFFF80, v3  }
0x28: {  	v2 =	vor.u32 v2, v3  }
0x29: {  	v2 =	vperm.xlane v2, v0;
	_ =	sdelay $0x1  }
0x2a: {  	v2 =	vadd.s32 v1, v2;
	_ =	sdelay $0x4  }
0x2b: {  	[tilespmem:s15], [sflag:$0x1] =	stream.indirect_vreg.gather [hbm4b:s1+s3], $0x80, v2, vm0, $0xb8;
	[tilespmem:$0x18200] =	vst v63  }
0x2c: {  	s29 =	simm.s32 $0x8A00  }
0x2d: {  	[tilespmem:s29], [sflag:$0x1] =	stream.indirect_vreg.gather [hbm4b:s5+s3], $0x80, v2, vm0, $0xb8;
	[tilespmem:$0x18200] =	vst v63  }
0x2e: {  	s30 =	simm.s32 $0x9200  }
0x2f: {  	[tilespmem:s30], [sflag:$0x1] =	stream.indirect_vreg.gather [hbm4b:s6+s3], $0x80, v2, vm0, $0xb8;
	[tilespmem:$0x18200] =	vst v63  }
0x30: {  	s4 =	simm.s32 $0x9A00  }
0x31: {  	[tilespmem:s4], [sflag:$0x1] =	stream.indirect_vreg.gather [hbm4b:s7+s3], $0x80, v2, vm0, $0xb8;
	[tilespmem:$0x18200] =	vst v63  }
0x32: {  	s14 =	simm.s32 $0xA200  }
0x33: {  	[tilespmem:s14], [sflag:$0x1] =	stream.indirect_vreg.gather [hbm4b:s8+s3], $0x80, v2, vm0, $0xb8;
	[tilespmem:$0x18200] =	vst v63  }
0x34: {  	s16 =	simm.s32 $0xAA00  }
0x35: {  	[tilespmem:s16], [sflag:$0x1] =	stream.indirect_vreg.gather [hbm4b:s9+s3], $0x80, v2, vm0, $0xb8;
	[tilespmem:$0x18200] =	vst v63  }
0x36: {  	s17 =	simm.s32 $0xB200  }
0x37: {  	[tilespmem:s17], [sflag:$0x1] =	stream.indirect_vreg.gather [hbm4b:s10+s3], $0x80, v2, vm0, $0xb8;
	[tilespmem:$0x18200] =	vst v63  }
0x38: {  	s26 =	simm.s32 $0xBA00  }
0x39: {  	[tilespmem:s26], [sflag:$0x1] =	stream.indirect_vreg.gather [hbm4b:s12+s3], $0x80, v2, vm0, $0xb8;
	[tilespmem:$0x18200] =	vst v63  }
0x3a: {  	v2 =	vld.msk [tilespmem:$0x8], $0xff;
	_ =	sdelay $0x4  }
0x3b: {  	v3 =	vshll.u32 v2, $0x4  }
0x3c: {  	v2 =	vand.u32 $0x7, v2;
	v3 =	vand.u32 $0xFFFFFF80, v3  }
0x3d: {  	v2 =	vor.u32 v2, v3  }
0x3e: {  	v2 =	vperm.xlane v2, v0;
	_ =	sdelay $0x1  }
0x3f: {  	v2 =	vadd.s32 v1, v2;
	_ =	sdelay $0x3  }
0x40: {  	s29 =	simm.s32 $0xC200  }
0x41: {  	[tilespmem:s29], [sflag:$0x2] =	stream.indirect_vreg.gather [hbm4b:s1+s3], $0x80, v2, vm0, $0xb8;
	[tilespmem:$0x18200] =	vst v63  }
0x42: {  	s30 =	simm.s32 $0xCA00  }
0x43: {  	[tilespmem:s30], [sflag:$0x2] =	stream.indirect_vreg.gather [hbm4b:s5+s3], $0x80, v2, vm0, $0xb8;
	[tilespmem:$0x18200] =	vst v63  }
0x44: {  	s4 =	simm.s32 $0xD200  }
0x45: {  	[tilespmem:s4], [sflag:$0x2] =	stream.indirect_vreg.gather [hbm4b:s6+s3], $0x80, v2, vm0, $0xb8;
	[tilespmem:$0x18200] =	vst v63  }
0x46: {  	s14 =	simm.s32 $0xDA00  }
0x47: {  	[tilespmem:s14], [sflag:$0x2] =	stream.indirect_vreg.gather [hbm4b:s7+s3], $0x80, v2, vm0, $0xb8;
	[tilespmem:$0x18200] =	vst v63  }
0x48: {  	s16 =	simm.s32 $0xE200  }
0x49: {  	[tilespmem:s16], [sflag:$0x2] =	stream.indirect_vreg.gather [hbm4b:s8+s3], $0x80, v2, vm0, $0xb8;
	[tilespmem:$0x18200] =	vst v63  }
0x4a: {  	s17 =	simm.s32 $0xEA00  }
0x4b: {  	[tilespmem:s17], [sflag:$0x2] =	stream.indirect_vreg.gather [hbm4b:s9+s3], $0x80, v2, vm0, $0xb8;
	[tilespmem:$0x18200] =	vst v63  }
0x4c: {  	s26 =	simm.s32 $0xF200  }
0x4d: {  	[tilespmem:s26], [sflag:$0x2] =	stream.indirect_vreg.gather [hbm4b:s10+s3], $0x80, v2, vm0, $0xb8;
	[tilespmem:$0x18200] =	vst v63  }
0x4e: {  	s29 =	simm.s32 $0xFA00  }
0x4f: {  	[tilespmem:s29], [sflag:$0x2] =	stream.indirect_vreg.gather [hbm4b:s12+s3], $0x80, v2, vm0, $0xb8;
	[tilespmem:$0x18200] =	vst v63  }
0x50: {  	v2 =	vld.msk [tilespmem:$0x10], $0xff;
	_ =	sdelay $0x4  }
0x51: {  	v3 =	vshll.u32 v2, $0x4  }
0x52: {  	v2 =	vand.u32 $0x7, v2;
	v3 =	vand.u32 $0xFFFFFF80, v3  }
0x53: {  	v2 =	vor.u32 v2, v3  }
0x54: {  	v2 =	vperm.xlane v2, v0;
	_ =	sdelay $0x1  }
0x55: {  	v2 =	vadd.s32 v1, v2;
	_ =	sdelay $0x3  }
0x56: {  	s30 =	simm.s32 $0x10200  }
0x57: {  	[tilespmem:s30], [sflag:$0x3] =	stream.indirect_vreg.gather [hbm4b:s1+s3], $0x80, v2, vm0, $0xb8;
	[tilespmem:$0x18200] =	vst v63  }
0x58: {  	s4 =	simm.s32 $0x10A00  }
0x59: {  	[tilespmem:s4], [sflag:$0x3] =	stream.indirect_vreg.gather [hbm4b:s5+s3], $0x80, v2, vm0, $0xb8;
	[tilespmem:$0x18200] =	vst v63  }
0x5a: {  	s14 =	simm.s32 $0x11200  }
0x5b: {  	[tilespmem:s14], [sflag:$0x3] =	stream.indirect_vreg.gather [hbm4b:s6+s3], $0x80, v2, vm0, $0xb8;
	[tilespmem:$0x18200] =	vst v63  }
0x5c: {  	s16 =	simm.s32 $0x11A00  }
0x5d: {  	[tilespmem:s16], [sflag:$0x3] =	stream.indirect_vreg.gather [hbm4b:s7+s3], $0x80, v2, vm0, $0xb8;
	[tilespmem:$0x18200] =	vst v63  }
0x5e: {  	s17 =	simm.s32 $0x12200  }
0x5f: {  	[tilespmem:s17], [sflag:$0x3] =	stream.indirect_vreg.gather [hbm4b:s8+s3], $0x80, v2, vm0, $0xb8;
	[tilespmem:$0x18200] =	vst v63  }
0x60: {  	s26 =	simm.s32 $0x12A00  }
0x61: {  	[tilespmem:s26], [sflag:$0x3] =	stream.indirect_vreg.gather [hbm4b:s9+s3], $0x80, v2, vm0, $0xb8;
	[tilespmem:$0x18200] =	vst v63  }
0x62: {  	s29 =	simm.s32 $0x13200  }
0x63: {  	[tilespmem:s29], [sflag:$0x3] =	stream.indirect_vreg.gather [hbm4b:s10+s3], $0x80, v2, vm0, $0xb8;
	[tilespmem:$0x18200] =	vst v63  }
0x64: {  	s30 =	simm.s32 $0x13A00  }
0x65: {  	[tilespmem:s30], [sflag:$0x3] =	stream.indirect_vreg.gather [hbm4b:s12+s3], $0x80, v2, vm0, $0xb8;
	[tilespmem:$0x18200] =	vst v63  }
0x66: {  	v2 =	vld.msk [tilespmem:$0x18], $0xff;
	_ =	sdelay $0x4  }
0x67: {  	v3 =	vshll.u32 v2, $0x4  }
0x68: {  	v2 =	vand.u32 $0x7, v2;
	v3 =	vand.u32 $0xFFFFFF80, v3  }
0x69: {  	v2 =	vor.u32 v2, v3  }
0x6a: {  	v2 =	vperm.xlane v2, v0;
	_ =	sdelay $0x1  }
0x6b: {  	v2 =	vadd.s32 v1, v2;
	_ =	sdelay $0x4  }
0x6c: {  	[tilespmem:s31], [sflag:$0x4] =	stream.indirect_vreg.gather [hbm4b:s1+s3], $0x80, v2, vm0, $0xb8;
	[tilespmem:$0x18200] =	vst v63  }
0x6d: {  	s4 =	simm.s32 $0x14A00  }
0x6e: {  	[tilespmem:s4], [sflag:$0x4] =	stream.indirect_vreg.gather [hbm4b:s5+s3], $0x80, v2, vm0, $0xb8;
	[tilespmem:$0x18200] =	vst v63  }
0x6f: {  	s14 =	simm.s32 $0x15200  }
0x70: {  	[tilespmem:s14], [sflag:$0x4] =	stream.indirect_vreg.gather [hbm4b:s6+s3], $0x80, v2, vm0, $0xb8;
	[tilespmem:$0x18200] =	vst v63  }
0x71: {  	s16 =	simm.s32 $0x15A00  }
0x72: {  	[tilespmem:s16], [sflag:$0x4] =	stream.indirect_vreg.gather [hbm4b:s7+s3], $0x80, v2, vm0, $0xb8;
	[tilespmem:$0x18200] =	vst v63  }
0x73: {  	s17 =	simm.s32 $0x16200  }
0x74: {  	[tilespmem:s17], [sflag:$0x4] =	stream.indirect_vreg.gather [hbm4b:s8+s3], $0x80, v2, vm0, $0xb8;
	[tilespmem:$0x18200] =	vst v63  }
0x75: {  	s26 =	simm.s32 $0x16A00  }
0x76: {  	[tilespmem:s26], [sflag:$0x4] =	stream.indirect_vreg.gather [hbm4b:s9+s3], $0x80, v2, vm0, $0xb8;
	[tilespmem:$0x18200] =	vst v63  }
0x77: {  	s29 =	simm.s32 $0x17200  }
0x78: {  	[tilespmem:s29], [sflag:$0x4] =	stream.indirect_vreg.gather [hbm4b:s10+s3], $0x80, v2, vm0, $0xb8;
	[tilespmem:$0x18200] =	vst v63  }
0x79: {  	s0 =	simm.s32 $0x38;
	s30 =	simm.s32 $0x17A00;
	s26 =	simm.s32 $0x0  }
0x7a: {  	[tilespmem:s30], [sflag:$0x4] =	stream.indirect_vreg.gather [hbm4b:s12+s3], $0x80, v2, vm0, $0xb8;
	[tilespmem:$0x18200] =	vst v63  }
.LBB2_2:
0x7b: {  	_ =	swait.ge [sflag:s18], $0x4000  }
0x7c: {  	p0 =	seq.s32 s26, $0x0;
	[sflag:s18] =	ssyncset.done $0x0  }
0x7d: {  	s4 =	simm.s32 @!p0 $0x9;
	[sflag:s18] =	ssyncadd.s32 $0xFFFFC000  }
0x7e: {  	_ =	swait.ge @!p0 [sflag:s4], $0x800  }
0x7f: {  	[sflag:s4] =	ssyncset.done @!p0 $0x0  }
0x80: {  	p1 =	sne.s32 s26, $0x1E000;
	[sflag:s4] =	ssyncadd.s32 @!p0 $0xFFFFF800  }
0x81: {  	[spmem:s11] =	stream.linear.scatter [tilespmem:s15], [sflag:$0x5], $0x4000, $0x38;
	[tilespmem:$0x18200] =	vst v63  }
.Ltmp2:
0x82: {  	s16 =	stileid.u32;
	(pc) =	sbr.rel @p1 .LBB2_4-.Ltmp2, $4  }
0x83: {  	s14 =	sshll.u32 s16, $0x6;
	_ =	swait.ge [sflag:s19], $0x4000  }
0x84: {  	s30 =	sor.u32 $0x1C09, s14;
	[sflag:s19] =	ssyncset.done $0x0;
	s17 =	rddreg [dreg:$0x7]  }
0x85: {  	s4 =	sshrl.u32 s11, $0x3;
	[sflag:s19] =	ssyncadd.s32 $0xFFFFC000;
	s29 =	sadd.s32 s26, s17  }
0x86: {  	[hbm:s29], [sflag:s30] =	dma.local [spmem:s4], $0x800  }
.Ltmp3:
0x87: {  	(pc) =	sbr.rel .LBB2_5-.Ltmp3, $4  }
0x88: {  	_ = 	snop  }
0x89: {  	_ =	swait.ge [sflag:s20], $0x4000  }
0x8a: {  	[sflag:s20] =	ssyncset.done $0x0  }
0x8b: {  	[sflag:s20] =	ssyncadd.s32 $0xFFFFC000  }
.LBB2_4:
0x8c: {  	v2 =	vld.msk [tilespmem:s0+$0xFFFFFFE8], $0xff;
	_ =	sdelay $0x4  }
0x8d: {  	v3 =	vshll.u32 v2, $0x4  }
0x8e: {  	v2 =	vand.u32 $0x7, v2;
	v3 =	vand.u32 $0xFFFFFF80, v3  }
0x8f: {  	v2 =	vor.u32 v2, v3  }
0x90: {  	v2 =	vperm.xlane v2, v0;
	_ =	sdelay $0x1  }
0x91: {  	v2 =	vadd.s32 v1, v2;
	_ =	sdelay $0x4  }
0x92: {  	[tilespmem:s15], [sflag:$0x1] =	stream.indirect_vreg.gather [hbm4b:s1+s3], $0x80, v2, vm0, $0xb8;
	[tilespmem:$0x18200] =	vst v63  }
0x93: {  	s17 =	simm.s32 $0x8A00  }
0x94: {  	[tilespmem:s17], [sflag:$0x1] =	stream.indirect_vreg.gather [hbm4b:s5+s3], $0x80, v2, vm0, $0xb8;
	[tilespmem:$0x18200] =	vst v63  }
0x95: {  	s16 =	simm.s32 $0x9200  }
0x96: {  	[tilespmem:s16], [sflag:$0x1] =	stream.indirect_vreg.gather [hbm4b:s6+s3], $0x80, v2, vm0, $0xb8;
	[tilespmem:$0x18200] =	vst v63  }
0x97: {  	s17 =	simm.s32 $0x9A00  }
0x98: {  	[tilespmem:s17], [sflag:$0x1] =	stream.indirect_vreg.gather [hbm4b:s7+s3], $0x80, v2, vm0, $0xb8;
	[tilespmem:$0x18200] =	vst v63  }
0x99: {  	s16 =	simm.s32 $0xA200  }
0x9a: {  	[tilespmem:s16], [sflag:$0x1] =	stream.indirect_vreg.gather [hbm4b:s8+s3], $0x80, v2, vm0, $0xb8;
	[tilespmem:$0x18200] =	vst v63  }
0x9b: {  	s17 =	simm.s32 $0xAA00  }
0x9c: {  	[tilespmem:s17], [sflag:$0x1] =	stream.indirect_vreg.gather [hbm4b:s9+s3], $0x80, v2, vm0, $0xb8;
	[tilespmem:$0x18200] =	vst v63  }
0x9d: {  	s16 =	simm.s32 $0xB200  }
0x9e: {  	[tilespmem:s16], [sflag:$0x1] =	stream.indirect_vreg.gather [hbm4b:s10+s3], $0x80, v2, vm0, $0xb8;
	[tilespmem:$0x18200] =	vst v63  }
.Ltmp4:
0x9f: {  	s17 =	simm.s32 $0xBA00;
	(pc) =	sbr.rel @p0 .LBB2_6-.Ltmp4, $4  }
0xa0: {  	[tilespmem:s17], [sflag:$0x1] =	stream.indirect_vreg.gather [hbm4b:s12+s3], $0x80, v2, vm0, $0xb8;
	[tilespmem:$0x18200] =	vst v63  }
0xa1: {  	_ =	swait.ge [sflag:s20], $0x4000  }
0xa2: {  	[sflag:s20] =	ssyncset.done $0x0  }
0xa3: {  	[sflag:s20] =	ssyncadd.s32 $0xFFFFC000  }
.LBB2_5:
0xa4: {  	_ =	swait.ge [sflag:s21], $0x800  }
0xa5: {  	[sflag:s21] =	ssyncset.done $0x0  }
0xa6: {  	[sflag:s21] =	ssyncadd.s32 $0xFFFFF800  }
.LBB2_6:
0xa7: {  	s15 =	simm.s32 $0xC200  }
0xa8: {  	[spmem:s13] =	stream.linear.scatter [tilespmem:s15], [sflag:$0x6], $0x4000, $0x38;
	[tilespmem:$0x18200] =	vst v63  }
0xa9: {  	_ =	swait.ge [sflag:s22], $0x4000  }
0xaa: {  	p0 =	seq.s32 s26, $0x1E000;
	s17 =	sadd.s32 $0x800, s29;
	[sflag:s22] =	ssyncset.done $0x0  }
0xab: {  	s14 =	sor.u32 $0x1C0A, s14;
	s16 =	sshrl.u32 s13, $0x3;
	[sflag:s22] =	ssyncadd.s32 $0xFFFFC000  }
0xac: {  	[hbm:s17], [sflag:s14] =	dma.local [spmem:s16], $0x800  }
0xad: {  	v2 =	vld.msk @!p0 [tilespmem:s0+$0xFFFFFFF0], $0xff;
	_ =	sdelay $0x4  }
0xae: {  	v3 =	vshll.u32 @!p0 v2, $0x4  }
0xaf: {  	v4 =	vlaneseq.u32 @!p0;
	v2 =	vand.u32 @!p0 $0x7, v2;
	v3 =	vand.u32 @!p0 $0xFFFFFF80, v3  }
0xb0: {  	v2 =	vor.u32 @!p0 v2, v3;
	v3 =	vand.u32 @!p0 $0x7, v4;
	v4 =	vshrl.u32 @!p0 v4, $0x3  }
0xb1: {  	v2 =	vperm.xlane @!p0 v2, v3;
	v4 =	vmul.u32 @!p0 $0x8, v4;
	_ =	sdelay $0x1  }
0xb2: {  	v2 =	vadd.s32 @!p0 v4, v2;
	_ =	sdelay $0x3  }
0xb3: {  	vm1 =	vmmov @!p0 $0xffff;
	s15 =	simm.s32 @!p0 $0xC200;
	s17 =	simm.s32 @!p0 $0x0  }
0xb4: {  	[tilespmem:s15], [sflag:$0x2] =	stream.indirect_vreg.gather @!p0 [hbm4b:s1+s17], $0x80, v2, vm1, $0xb8;
	[tilespmem:$0x18200] =	vst v63  }
0xb5: {  	s15 =	simm.s32 @!p0 $0xCA00  }
0xb6: {  	[tilespmem:s15], [sflag:$0x2] =	stream.indirect_vreg.gather @!p0 [hbm4b:s5+s17], $0x80, v2, vm1, $0xb8;
	[tilespmem:$0x18200] =	vst v63  }
0xb7: {  	s15 =	simm.s32 @!p0 $0xD200  }
0xb8: {  	[tilespmem:s15], [sflag:$0x2] =	stream.indirect_vreg.gather @!p0 [hbm4b:s6+s17], $0x80, v2, vm1, $0xb8;
	[tilespmem:$0x18200] =	vst v63  }
0xb9: {  	s15 =	simm.s32 @!p0 $0xDA00  }
0xba: {  	[tilespmem:s15], [sflag:$0x2] =	stream.indirect_vreg.gather @!p0 [hbm4b:s7+s17], $0x80, v2, vm1, $0xb8;
	[tilespmem:$0x18200] =	vst v63  }
0xbb: {  	s15 =	simm.s32 @!p0 $0xE200  }
0xbc: {  	[tilespmem:s15], [sflag:$0x2] =	stream.indirect_vreg.gather @!p0 [hbm4b:s8+s17], $0x80, v2, vm1, $0xb8;
	[tilespmem:$0x18200] =	vst v63  }
0xbd: {  	s15 =	simm.s32 @!p0 $0xEA00  }
0xbe: {  	[tilespmem:s15], [sflag:$0x2] =	stream.indirect_vreg.gather @!p0 [hbm4b:s9+s17], $0x80, v2, vm1, $0xb8;
	[tilespmem:$0x18200] =	vst v63  }
0xbf: {  	s15 =	simm.s32 @!p0 $0xF200  }
0xc0: {  	[tilespmem:s15], [sflag:$0x2] =	stream.indirect_vreg.gather @!p0 [hbm4b:s10+s17], $0x80, v2, vm1, $0xb8;
	[tilespmem:$0x18200] =	vst v63  }
0xc1: {  	s15 =	simm.s32 @!p0 $0xFA00  }
0xc2: {  	[tilespmem:s15], [sflag:$0x2] =	stream.indirect_vreg.gather @!p0 [hbm4b:s12+s17], $0x80, v2, vm1, $0xb8;
	[tilespmem:$0x18200] =	vst v63  }
0xc3: {  	_ =	swait.ge [sflag:s23], $0x4000  }
0xc4: {  	[sflag:s23] =	ssyncset.done $0x0  }
0xc5: {  	[sflag:s23] =	ssyncadd.s32 $0xFFFFC000  }
0xc6: {  	_ =	swait.ge [sflag:s24], $0x800  }
0xc7: {  	[sflag:s24] =	ssyncset.done $0x0  }
0xc8: {  	s15 =	simm.s32 $0x10200;
	[sflag:s24] =	ssyncadd.s32 $0xFFFFF800  }
0xc9: {  	[spmem:s11] =	stream.linear.scatter [tilespmem:s15], [sflag:$0x7], $0x4000, $0x38;
	[tilespmem:$0x18200] =	vst v63  }
0xca: {  	_ =	swait.ge [sflag:s2], $0x4000  }
0xcb: {  	[sflag:s2] =	ssyncset.done $0x0  }
0xcc: {  	s15 =	sadd.s32 $0x1000, s29;
	[sflag:s2] =	ssyncadd.s32 $0xFFFFC000  }
0xcd: {  	[hbm:s15], [sflag:s30] =	dma.local [spmem:s4], $0x800  }
0xce: {  	v2 =	vld.msk @!p0 [tilespmem:s0+$0xFFFFFFF8], $0xff;
	_ =	sdelay $0x4  }
0xcf: {  	v5 =	vshll.u32 @!p0 v2, $0x4  }
0xd0: {  	v2 =	vand.u32 @!p0 $0x7, v2;
	v5 =	vand.u32 @!p0 $0xFFFFFF80, v5  }
0xd1: {  	v2 =	vor.u32 @!p0 v2, v5  }
0xd2: {  	v2 =	vperm.xlane @!p0 v2, v3;
	_ =	sdelay $0x1  }
0xd3: {  	v2 =	vadd.s32 @!p0 v4, v2;
	_ =	sdelay $0x3  }
0xd4: {  	s4 =	simm.s32 @!p0 $0x10200  }
0xd5: {  	[tilespmem:s4], [sflag:$0x3] =	stream.indirect_vreg.gather @!p0 [hbm4b:s1+s17], $0x80, v2, vm1, $0xb8;
	[tilespmem:$0x18200] =	vst v63  }
0xd6: {  	s4 =	simm.s32 @!p0 $0x10A00  }
0xd7: {  	[tilespmem:s4], [sflag:$0x3] =	stream.indirect_vreg.gather @!p0 [hbm4b:s5+s17], $0x80, v2, vm1, $0xb8;
	[tilespmem:$0x18200] =	vst v63  }
0xd8: {  	s4 =	simm.s32 @!p0 $0x11200  }
0xd9: {  	[tilespmem:s4], [sflag:$0x3] =	stream.indirect_vreg.gather @!p0 [hbm4b:s6+s17], $0x80, v2, vm1, $0xb8;
	[tilespmem:$0x18200] =	vst v63  }
0xda: {  	s4 =	simm.s32 @!p0 $0x11A00  }
0xdb: {  	[tilespmem:s4], [sflag:$0x3] =	stream.indirect_vreg.gather @!p0 [hbm4b:s7+s17], $0x80, v2, vm1, $0xb8;
	[tilespmem:$0x18200] =	vst v63  }
0xdc: {  	s4 =	simm.s32 @!p0 $0x12200  }
0xdd: {  	[tilespmem:s4], [sflag:$0x3] =	stream.indirect_vreg.gather @!p0 [hbm4b:s8+s17], $0x80, v2, vm1, $0xb8;
	[tilespmem:$0x18200] =	vst v63  }
0xde: {  	s4 =	simm.s32 @!p0 $0x12A00  }
0xdf: {  	[tilespmem:s4], [sflag:$0x3] =	stream.indirect_vreg.gather @!p0 [hbm4b:s9+s17], $0x80, v2, vm1, $0xb8;
	[tilespmem:$0x18200] =	vst v63  }
0xe0: {  	s4 =	simm.s32 @!p0 $0x13200  }
0xe1: {  	[tilespmem:s4], [sflag:$0x3] =	stream.indirect_vreg.gather @!p0 [hbm4b:s10+s17], $0x80, v2, vm1, $0xb8;
	[tilespmem:$0x18200] =	vst v63  }
0xe2: {  	s4 =	simm.s32 @!p0 $0x13A00  }
0xe3: {  	[tilespmem:s4], [sflag:$0x3] =	stream.indirect_vreg.gather @!p0 [hbm4b:s12+s17], $0x80, v2, vm1, $0xb8;
	[tilespmem:$0x18200] =	vst v63  }
0xe4: {  	_ =	swait.ge [sflag:s25], $0x4000  }
0xe5: {  	[sflag:s25] =	ssyncset.done $0x0  }
0xe6: {  	[sflag:s25] =	ssyncadd.s32 $0xFFFFC000  }
0xe7: {  	_ =	swait.ge [sflag:s21], $0x800  }
0xe8: {  	[sflag:s21] =	ssyncset.done $0x0  }
0xe9: {  	[sflag:s21] =	ssyncadd.s32 $0xFFFFF800  }
0xea: {  	[spmem:s13] =	stream.linear.scatter [tilespmem:s31], [sflag:$0x8], $0x4000, $0x38;
	[tilespmem:$0x18200] =	vst v63  }
.Ltmp5:
0xeb: {  	_ = 	snop;
	(pc) =	sbr.rel @p0 .LBB2_8-.Ltmp5, $4  }
0xec: {  	_ =	swait.ge [sflag:s28], $0x4000  }
0xed: {  	[sflag:s28] =	ssyncset.done $0x0  }
0xee: {  	s30 =	sadd.s32 $0x1800, s29;
	[sflag:s28] =	ssyncadd.s32 $0xFFFFC000  }
0xef: {  	[hbm:s30], [sflag:s14] =	dma.local [spmem:s16], $0x800  }
0xf0: {  	v2 =	vld.msk [tilespmem:s0+$0x0], $0xff;
	_ =	sdelay $0x4  }
0xf1: {  	v3 =	vshll.u32 v2, $0x4  }
0xf2: {  	v2 =	vand.u32 $0x7, v2;
	v3 =	vand.u32 $0xFFFFFF80, v3  }
0xf3: {  	v2 =	vor.u32 v2, v3  }
0xf4: {  	v2 =	vperm.xlane v2, v0;
	_ =	sdelay $0x1  }
0xf5: {  	v2 =	vadd.s32 v1, v2;
	_ =	sdelay $0x4  }
0xf6: {  	[tilespmem:s31], [sflag:$0x4] =	stream.indirect_vreg.gather [hbm4b:s1+s3], $0x80, v2, vm0, $0xb8;
	[tilespmem:$0x18200] =	vst v63  }
0xf7: {  	s4 =	simm.s32 $0x14A00  }
0xf8: {  	[tilespmem:s4], [sflag:$0x4] =	stream.indirect_vreg.gather [hbm4b:s5+s3], $0x80, v2, vm0, $0xb8;
	[tilespmem:$0x18200] =	vst v63  }
0xf9: {  	s14 =	simm.s32 $0x15200  }
0xfa: {  	[tilespmem:s14], [sflag:$0x4] =	stream.indirect_vreg.gather [hbm4b:s6+s3], $0x80, v2, vm0, $0xb8;
	[tilespmem:$0x18200] =	vst v63  }
0xfb: {  	s15 =	simm.s32 $0x15A00  }
0xfc: {  	[tilespmem:s15], [sflag:$0x4] =	stream.indirect_vreg.gather [hbm4b:s7+s3], $0x80, v2, vm0, $0xb8;
	[tilespmem:$0x18200] =	vst v63  }
0xfd: {  	s16 =	simm.s32 $0x16200  }
0xfe: {  	[tilespmem:s16], [sflag:$0x4] =	stream.indirect_vreg.gather [hbm4b:s8+s3], $0x80, v2, vm0, $0xb8;
	[tilespmem:$0x18200] =	vst v63  }
0xff: {  	s17 =	simm.s32 $0x16A00  }
0x100: {  	[tilespmem:s17], [sflag:$0x4] =	stream.indirect_vreg.gather [hbm4b:s9+s3], $0x80, v2, vm0, $0xb8;
	[tilespmem:$0x18200] =	vst v63  }
.Ltmp6:
0x101: {  	_ = 	snop;
	(pc) =	sbr.rel .LBB2_2-.Ltmp6, $4  }
0x102: {  	s29 =	simm.s32 $0x17200;
	s30 =	simm.s32 $0x17A00  }
0x103: {  	[tilespmem:s29], [sflag:$0x4] =	stream.indirect_vreg.gather [hbm4b:s10+s3], $0x80, v2, vm0, $0xb8;
	[tilespmem:$0x18200] =	vst v63  }
0x104: {  	s26 =	sadd.s32 $0x2000, s26;
	s0 =	sadd.s32 $0x20, s0;
	s15 =	simm.s32 $0x8200  }
0x105: {  	[tilespmem:s30], [sflag:$0x4] =	stream.indirect_vreg.gather [hbm4b:s12+s3], $0x80, v2, vm0, $0xb8;
	[tilespmem:$0x18200] =	vst v63  }
.LBB2_9:
0x106: {  	_ =	sfence.sel $0x180000  }
0x107: {  	[bflag:$0x0] =	sbarrier.arrive $0xFFFF  }
0x108: {  	_ =	strace $0x90000047  }
0x109: {  	s0 =	stileid.u32;
	[bflag:$0x2] =	sbarrier.arrive $0xFFFF  }
0x10a: {  	p0 =	sne.s32 s0, $0x0;
	s0 =	rddreg [dreg:$0x4]  }
0x10b: {  	s0 =	sadd.s32 @!p0 $0x100000, s0  }
0x10c: {  	[sflag:s0] =	ssyncadd.tile.s32 @!p0 $0x1;
	_ =	shalt  }
.Lfunc_end2:
_tile_overlayer_lowered:
.L_overlay_start_2:
0x10d: {  	(tag) =	ssettag $0x2  }
0x10e: {  	s0 =	rddreg [dreg:$0x0];
	s2 =	stileid.u32  }
0x10f: {  	s1 =	rddreg [dreg:$0x1];
	p0 =	sne.s32 s2, $0x0  }
0x110: {  	s3 =	rddreg [dreg:$0x2];
	[bflag:$0x3] =	sbarrier.arrive $0xFFFF;
	s2 =	simm.s32 @!p0 $0x1C0B  }
0x111: {  	[timem:s3], [sflag:s2] =	dma.local @!p0 [hbm:s0], s1  }
0x112: {  	s0 =	simm.s32 @!p0 $0xB  }
0x113: {  	_ =	swait.ge @!p0 [sflag:s0], s1  }
0x114: {  	s1 =	ssub.s32 @!p0 $0x0, s1;
	[sflag:s0] =	ssyncset.done @!p0 $0x0  }
0x115: {  	[sflag:s0] =	ssyncadd.s32 @!p0 s1  }
0x116: {  	[bflag:$0x3] =	sbarrier.arrive $0xFFFF  }
0x117: {  	_ =	shalt  }

</sc_bundles>
